<compile_context>
chip_gen: v7x
topology: tpu7x:2x2x1
jax: 0.10.2.dev20260603
libtpu: 0.0.44.dev20260713+nightly
codegen_flags: <defaults>
</compile_context>

<pallas_src>
import functools

import jax
import jax.numpy as jnp
from jax import lax
from jax.experimental import pallas as pl
from jax.experimental.pallas import tpu as pltpu
from jax.experimental.pallas import tpu_sc as plsc

_N = 10000
_E = 320000
_D = 128
_H = 64
_G = 64

_NP = 10240
_EP = 327680
_EROWS = _EP // 128
_ROWS_PER_TILE = _EROWS // 32
_CHUNK_ROWS = 8
_CHUNKS = _ROWS_PER_TILE // _CHUNK_ROWS
_RPT = _NP // 16
_RB = 1280
_NB = _NP // _RB


def _sc_degree(dst_rows, zeros16, ones16):
    mesh = plsc.VectorSubcoreMesh(core_axis_name="c", subcore_axis_name="s")

    @functools.partial(
        pl.kernel,
        mesh=mesh,
        out_type=jax.ShapeDtypeStruct((2 * _NP, 16), jnp.float32),
        scratch_types=[
            pltpu.VMEM((_CHUNK_ROWS, 128), jnp.int32),
            pltpu.VMEM((128, 16), jnp.float32),
            pltpu.VMEM_SHARED((_NP, 16), jnp.float32),
        ],
        compiler_params=pltpu.CompilerParams(use_tc_tiling_on_sc=False),
    )
    def k(dst_hbm, zeros_hbm, ones_hbm, out_hbm, idx_d, ones_v, acc):
        c = lax.axis_index("c")
        s = lax.axis_index("s")
        tid = c * 16 + s
        pltpu.sync_copy(zeros_hbm.at[pl.ds(s * _RPT, _RPT)], acc.at[pl.ds(s * _RPT, _RPT)])
        pltpu.sync_copy(ones_hbm, ones_v)
        plsc.subcore_barrier()

        def body(ci, carry):
            rb = tid * _ROWS_PER_TILE + ci * _CHUNK_ROWS
            pltpu.sync_copy(dst_hbm.at[pl.ds(rb, _CHUNK_ROWS)], idx_d)
            for j in range(_CHUNK_ROWS):
                pltpu.sync_copy(ones_v, acc.at[idx_d.at[j]], add=True)
            return carry

        lax.fori_loop(0, _CHUNKS, body, 0)
        plsc.subcore_barrier()
        pltpu.sync_copy(acc.at[pl.ds(s * _RPT, _RPT)],
                        out_hbm.at[pl.ds(c * _NP + s * _RPT, _RPT)])

    return k(dst_rows, zeros16, ones16)


_CR = 4
_CE = _CR * 128
_R0 = 120
_R1 = (2 * _ROWS_PER_TILE) - _R0
_NPAIR0 = _R0 // (2 * _CR)
_NPAIR1 = _R1 // (2 * _CR)


def _sc_messages(g, src_rows, dst_rows, zeros64):
    mesh = plsc.VectorSubcoreMesh(core_axis_name="c", subcore_axis_name="s")

    @functools.partial(
        pl.kernel,
        mesh=mesh,
        out_type=jax.ShapeDtypeStruct((2 * _NP, _H), jnp.float32),
        scratch_types=[
            pltpu.VMEM((2 * _CR, 128), jnp.int32),
            pltpu.VMEM((2 * _CR, 128), jnp.int32),
            pltpu.VMEM((2 * _CE, _H), jnp.float32),
            pltpu.VMEM_SHARED((_NP, _H), jnp.float32),
            pltpu.SemaphoreType.DMA,
            pltpu.SemaphoreType.DMA,
            pltpu.SemaphoreType.DMA,
            pltpu.SemaphoreType.DMA,
        ],
        compiler_params=pltpu.CompilerParams(use_tc_tiling_on_sc=False),
    )
    def k(g_hbm, src_hbm, dst_hbm, zeros_hbm, out_hbm, idx_s, idx_d, rows,
          acc, gsem0, gsem1, ssem0, ssem1):
        c = lax.axis_index("c")
        s = lax.axis_index("s")
        base = jnp.where(c == 0, s * _R0, 16 * _R0 + s * _R1)
        n_pair = jnp.where(c == 0, _NPAIR0, _NPAIR1)
        pltpu.sync_copy(zeros_hbm.at[pl.ds(s * _RPT, _RPT)], acc.at[pl.ds(s * _RPT, _RPT)])
        plsc.subcore_barrier()

        def copy_idx(ch, b):
            rb = base + ch * _CR
            pltpu.sync_copy(src_hbm.at[pl.ds(rb, _CR)], idx_s.at[pl.ds(b * _CR, _CR)])
            pltpu.sync_copy(dst_hbm.at[pl.ds(rb, _CR)], idx_d.at[pl.ds(b * _CR, _CR)])

        def fire_gathers(b, gsem):
            for j in range(_CR):
                pltpu.async_copy(g_hbm.at[idx_s.at[b * _CR + j]],
                                 rows.at[pl.ds(b * _CE + j * 128, 128)], gsem)

        def wait_gathers(b, gsem):
            pltpu.make_async_copy(g_hbm.at[pl.ds(0, _CE)],
                                  rows.at[pl.ds(b * _CE, _CE)], gsem).wait()

        def fire_scatters(b, ssem):
            for j in range(_CR):
                pltpu.async_copy(rows.at[pl.ds(b * _CE + j * 128, 128)],
                                 acc.at[idx_d.at[b * _CR + j]], ssem, add=True)

        def wait_scatters(b, ssem):
            pltpu.make_async_copy(g_hbm.at[pl.ds(0, _CE)],
                                  rows.at[pl.ds(b * _CE, _CE)], ssem).wait()

        copy_idx(0, 0)
        fire_gathers(0, gsem0)

        def pair(i, carry):
            @pl.when(i >= 1)
            def _():
                wait_scatters(1, ssem1)
            copy_idx(2 * i + 1, 1)
            fire_gathers(1, gsem1)
            wait_gathers(0, gsem0)
            fire_scatters(0, ssem0)

            @pl.when(i + 1 < n_pair)
            def _():
                wait_scatters(0, ssem0)
                copy_idx(2 * i + 2, 0)
                fire_gathers(0, gsem0)
            wait_gathers(1, gsem1)
            fire_scatters(1, ssem1)
            return carry

        lax.fori_loop(0, n_pair, pair, 0)
        wait_scatters(0, ssem0)
        wait_scatters(1, ssem1)
        plsc.subcore_barrier()
        pltpu.sync_copy(acc.at[pl.ds(s * _RPT, _RPT)],
                        out_hbm.at[pl.ds(c * _NP + s * _RPT, _RPT)])

    return k(g, src_rows, dst_rows, zeros64)


def _tc_g(xp, W1, degp):
    def body(x_ref, w_ref, d0_ref, d1_ref, g_ref):
        deg = d0_ref[:, 0:1] + d1_ref[:, 0:1] + 1.0
        dinv = lax.rsqrt(deg)
        h = jnp.dot(x_ref[...].astype(jnp.bfloat16),
                    w_ref[...].astype(jnp.bfloat16),
                    preferred_element_type=jnp.float32)
        g_ref[...] = dinv * h

    return pl.pallas_call(
        body,
        grid=(_NB,),
        in_specs=[
            pl.BlockSpec((_RB, _D), lambda i: (i, 0)),
            pl.BlockSpec((_D, _H), lambda i: (0, 0)),
            pl.BlockSpec((_RB, 16), lambda i: (i, 0)),
            pl.BlockSpec((_RB, 16), lambda i: (_NB + i, 0)),
        ],
        out_specs=pl.BlockSpec((_RB, _H), lambda i: (i, 0)),
        out_shape=jax.ShapeDtypeStruct((_NP, _H), jnp.float32),
    )(xp, W1, degp, degp)


def _tc_final(accp, g, degp, batch3, b1r, Wl1, bl1r, Wl2, bl2r):
    def body(a0_ref, a1_ref, g_ref, d0_ref, d1_ref, b_ref, b1_ref, w1_ref,
             bl1_ref, w2_ref, bl2_ref, out_ref, u_acc):
        i = pl.program_id(0)

        @pl.when(i == 0)
        def _():
            u_acc[...] = jnp.zeros_like(u_acc)

        deg = d0_ref[:, 0:1] + d1_ref[:, 0:1] + 1.0
        dinv = lax.rsqrt(deg)
        hrelu = jnp.maximum(
            dinv * (a0_ref[...] + a1_ref[...] + g_ref[...]) + b1_ref[...], 0.0)
        bvec = b_ref[0, 0, :]
        onehot = (bvec[None, :] == lax.broadcasted_iota(jnp.int32, (_G, _RB), 0)
                  ).astype(jnp.float32)
        u_acc[...] += jnp.dot(onehot, hrelu, preferred_element_type=jnp.float32, precision=lax.Precision.HIGHEST)

        @pl.when(i == _NB - 1)
        def _():
            u = u_acc[...].astype(jnp.bfloat16)
            t = jnp.maximum(
                jnp.dot(u, w1_ref[...].astype(jnp.bfloat16),
                        preferred_element_type=jnp.float32)
                + bl1_ref[...], 0.0).astype(jnp.bfloat16)
            out_ref[...] = (jnp.dot(t, w2_ref[...].astype(jnp.bfloat16),
                                    preferred_element_type=jnp.float32)
                            + bl2_ref[...])

    return pl.pallas_call(
        body,
        grid=(_NB,),
        in_specs=[
            pl.BlockSpec((_RB, _H), lambda i: (i, 0)),
            pl.BlockSpec((_RB, _H), lambda i: (_NB + i, 0)),
            pl.BlockSpec((_RB, _H), lambda i: (i, 0)),
            pl.BlockSpec((_RB, 16), lambda i: (i, 0)),
            pl.BlockSpec((_RB, 16), lambda i: (_NB + i, 0)),
            pl.BlockSpec((1, 1, _RB), lambda i: (i, 0, 0)),
            pl.BlockSpec((1, _H), lambda i: (0, 0)),
            pl.BlockSpec((_H, 16), lambda i: (0, 0)),
            pl.BlockSpec((1, 16), lambda i: (0, 0)),
            pl.BlockSpec((16, 1), lambda i: (0, 0)),
            pl.BlockSpec((1, 1), lambda i: (0, 0)),
        ],
        out_specs=pl.BlockSpec((_G, 1), lambda i: (0, 0)),
        out_shape=jax.ShapeDtypeStruct((_G, 1), jnp.float32),
        scratch_shapes=[pltpu.VMEM((_G, _G), jnp.float32)],
    )(accp, accp, g, degp, degp, batch3, b1r, Wl1, bl1r, Wl2, bl2r)


def kernel(x, edge_index, batch, W1, b1, W_lin1, b_lin1, W_lin2, b_lin2):
    src = edge_index[0]
    dst = edge_index[1]
    pad_e = _EP - _E
    srcp = jnp.concatenate(
        [src, jnp.full((pad_e,), _N, jnp.int32)]).reshape(_EROWS, 128)
    dstp = jnp.concatenate(
        [dst, jnp.full((pad_e,), _N, jnp.int32)]).reshape(_EROWS, 128)
    xp = jnp.zeros((_NP, _D), jnp.float32).at[:_N].set(x)
    zeros16 = jnp.zeros((_NP, 16), jnp.float32)
    ones16 = jnp.ones((128, 16), jnp.float32)
    zeros64 = jnp.zeros((_NP, _H), jnp.float32)

    degp = _sc_degree(dstp, zeros16, ones16)
    g = _tc_g(xp, W1, degp)
    accp = _sc_messages(g, srcp, dstp, zeros64)

    batchp = jnp.concatenate(
        [batch, jnp.full((_NP - _N,), _G, jnp.int32)]).reshape(_NB, 1, _RB)
    out = _tc_final(accp, g, degp, batchp,
                    b1.reshape(1, _H), W_lin1, b_lin1.reshape(1, 16),
                    W_lin2, b_lin2.reshape(1, 1))
    return out.reshape(-1)

# --- scband reference (transcript-rebuilt; emitter-appended) ---
"""Pipeline reference for scband-mpnn4-10333691314706 (READ-ONLY COPY).

The authoritative reference and input builder live on the scoring server;
editing this copy changes nothing except your own understanding.
"""

import jax, jax.numpy as jnp
import numpy as np

N = 10000
E = 320000
D = 128
H = 64
G = 64

def setup_inputs(seed: int = 0) -> dict:
    key = jax.random.key(seed)
    ks = jax.random.split(key, 8)
    x = jax.random.normal(ks[0], (N, D), dtype=jnp.float32)
    edge_index = jax.random.randint(ks[1], (2, E), 0, N, dtype=jnp.int32)
    batch = jnp.sort(jax.random.randint(ks[2], (N,), 0, G, dtype=jnp.int32))
    W1 = jax.random.normal(ks[3], (D, H), dtype=jnp.float32) * (1.0 / np.sqrt(D))
    b1 = jnp.zeros((H,), dtype=jnp.float32)
    W_lin1 = jax.random.normal(ks[4], (H, 16), dtype=jnp.float32) * (1.0 / np.sqrt(H))
    b_lin1 = jnp.zeros((16,), dtype=jnp.float32)
    W_lin2 = jax.random.normal(ks[5], (16, 1), dtype=jnp.float32) * 0.25
    b_lin2 = jnp.zeros((1,), dtype=jnp.float32)
    return {"x": x, "edge_index": edge_index, "batch": batch, "W1": W1, "b1": b1,
            "W_lin1": W_lin1, "b_lin1": b_lin1, "W_lin2": W_lin2, "b_lin2": b_lin2}

def gcn_conv(x, edge_index, W, b):
    # PyG GCNConv with add_self_loops=True, symmetric normalization, edge_weight=None
    h = x @ W
    src = edge_index[0]
    dst = edge_index[1]
    loop = jnp.arange(N, dtype=src.dtype)
    src_full = jnp.concatenate([src, loop])
    dst_full = jnp.concatenate([dst, loop])
    ones = jnp.ones((src_full.shape[0],), dtype=h.dtype)
    deg = jax.ops.segment_sum(ones, dst_full, num_segments=N)
    dinv = jnp.where(deg > 0, jax.lax.rsqrt(jnp.maximum(deg, 1e-12)), 0.0)
    norm = dinv[src_full] * dinv[dst_full]
    msg = h[src_full] * norm[:, None]
    out = jax.ops.segment_sum(msg, dst_full, num_segments=N)
    return out + b

def reference(x, edge_index, batch, W1, b1, W_lin1, b_lin1, W_lin2, b_lin2):
    h = jax.nn.relu(gcn_conv(x, edge_index, W1, b1))
    u = jax.ops.segment_sum(h, batch, num_segments=G)  # global_add_pool
    out = jax.nn.relu(u @ W_lin1 + b_lin1)
    out = out @ W_lin2 + b_lin2
    return out.reshape(-1)

if __name__ == "__main__":
    import jax
    _d = setup_inputs()
    print(jax.jit(kernel)(*tuple(_d.values())))

</pallas_src>

<mosaic_0001>
#map = affine_map<(d0, d1) -> (0, 0)>
module attributes {stable_mosaic.version = 14 : i64} {
  func.func @k(%arg0: i32, %arg1: i32, %arg2: memref<2560x128xi32, #tpu.memory_space<hbm>>, %arg3: memref<10240x16xf32, #tpu.memory_space<hbm>>, %arg4: memref<128x16xf32, #tpu.memory_space<hbm>>, %arg5: memref<20480x16xf32, #tpu.memory_space<hbm>>, %arg6: memref<8x128xi32, #tpu.memory_space<vmem>>, %arg7: memref<128x16xf32, #tpu.memory_space<vmem>>, %arg8: memref<10240x16xf32, #tpu.memory_space<vmem_shared>>) attributes {dimension_semantics = [#tpu.dimension_semantics<core_parallel>, #tpu.dimension_semantics<subcore_parallel>], iteration_bounds = array<i64: 2, 16>, scalar_prefetch = 0 : i64, scratch_operands = 3 : i64, tpu.core_type = #tpu.core_type<sc_vector_subcore>, window_params = [{transform_indices = #map}, {transform_indices = #map}, {transform_indices = #map}, {transform_indices = #map}]} {
    %mul3A = arith.constant 16 : i32
    %mul3A_0 = arith.muli %arg0, %mul3A : i32
    %add3A = arith.addi %mul3A_0, %arg1 : i32
    %mul3A_1 = arith.constant 640 : i32
    %mul3A_2 = arith.muli %arg1, %mul3A_1 : i32
    %mul3A_3 = arith.constant 640 : i32
    %mul3A_4 = arith.muli %arg1, %mul3A_3 : i32
    "tpu.region"() ({
      %run_scoped3A = tpu.sem_alloc : memref<!tpu.dma_semaphore, #tpu.memory_space<semaphore_mem>>
      %dma_start3A = arith.constant 0 : i32
      %dma_start3A_18 = tpu.memref_slice %arg8[%mul3A_4, %dma_start3A] : memref<10240x16xf32, #tpu.memory_space<vmem_shared>> -> memref<640x16xf32, #tpu.memory_space<vmem_shared>>
      %dma_start3A_19 = arith.constant 0 : i32
      %dma_start3A_20 = tpu.memref_slice %arg3[%mul3A_2, %dma_start3A_19] : memref<10240x16xf32, #tpu.memory_space<hbm>> -> memref<640x16xf32, #tpu.memory_space<hbm>>
      tpu.enqueue_dma source(%dma_start3A_20 : memref<640x16xf32, #tpu.memory_space<hbm>>) target(%dma_start3A_18 : memref<640x16xf32, #tpu.memory_space<vmem_shared>>) target_semaphore(%run_scoped3A : memref<!tpu.dma_semaphore, #tpu.memory_space<semaphore_mem>>)
      %dma_wait3A = arith.constant 0 : i32
      %dma_wait3A_21 = tpu.memref_slice %arg8[%mul3A_4, %dma_wait3A] : memref<10240x16xf32, #tpu.memory_space<vmem_shared>> -> memref<640x16xf32, #tpu.memory_space<vmem_shared>>
      %dma_wait3A_22 = arith.constant 0 : i32
      %dma_wait3A_23 = tpu.memref_slice %arg3[%mul3A_2, %dma_wait3A_22] : memref<10240x16xf32, #tpu.memory_space<hbm>> -> memref<640x16xf32, #tpu.memory_space<hbm>>
      tpu.wait_dma2 semaphore(%run_scoped3A : memref<!tpu.dma_semaphore, #tpu.memory_space<semaphore_mem>>) src(%dma_wait3A_23 : memref<640x16xf32, #tpu.memory_space<hbm>>) dst(%dma_wait3A_21 : memref<640x16xf32, #tpu.memory_space<vmem_shared>>)
      tpu.yield
    }) : () -> ()
    "tpu.region"() ({
      %run_scoped3A = tpu.sem_alloc : memref<!tpu.dma_semaphore, #tpu.memory_space<semaphore_mem>>
      tpu.enqueue_dma source(%arg4 : memref<128x16xf32, #tpu.memory_space<hbm>>) target(%arg7 : memref<128x16xf32, #tpu.memory_space<vmem>>) target_semaphore(%run_scoped3A : memref<!tpu.dma_semaphore, #tpu.memory_space<semaphore_mem>>)
      tpu.wait_dma2 semaphore(%run_scoped3A : memref<!tpu.dma_semaphore, #tpu.memory_space<semaphore_mem>>) src(%arg4 : memref<128x16xf32, #tpu.memory_space<hbm>>) dst(%arg7 : memref<128x16xf32, #tpu.memory_space<vmem>>)
      tpu.yield
    }) : () -> ()
    %barrier3A = arith.constant 0 : index
    tpu.barrier barrier_id(%barrier3A)
    %scan3A = arith.constant 0 : i32
    %scan3A_5 = arith.constant 0 : i32
    %scan3A_6 = arith.constant 10 : i32
    %scan3A_7 = arith.addi %scan3A_5, %scan3A_6 : i32
    %scan3A_8 = arith.constant 1 : i32
    scf.for %scan3A_18 = %scan3A_5 to %scan3A_7 step %scan3A_8  : i32 {
      %mul3A_19 = arith.constant 80 : i32
      %mul3A_20 = arith.muli %add3A, %mul3A_19 : i32
      %mul3A_21 = arith.constant 8 : i32
      %mul3A_22 = arith.muli %scan3A_18, %mul3A_21 : i32
      %add3A_23 = arith.addi %mul3A_20, %mul3A_22 : i32
      "tpu.region"() ({
        %run_scoped3A_31 = tpu.sem_alloc : memref<!tpu.dma_semaphore, #tpu.memory_space<semaphore_mem>>
        %dma_start3A = arith.constant 0 : i32
        %dma_start3A_32 = tpu.memref_slice %arg2[%add3A_23, %dma_start3A] : memref<2560x128xi32, #tpu.memory_space<hbm>> -> memref<8x128xi32, #tpu.memory_space<hbm>>
        %dma_start3A_33 = arith.constant 0 : i32
        %dma_start3A_34 = tpu.memref_slice %arg2[%add3A_23, %dma_start3A_33] : memref<2560x128xi32, #tpu.memory_space<hbm>> -> memref<8x128xi32, #tpu.memory_space<hbm>>
        tpu.enqueue_dma source(%dma_start3A_34 : memref<8x128xi32, #tpu.memory_space<hbm>>) target(%arg6 : memref<8x128xi32, #tpu.memory_space<vmem>>) target_semaphore(%run_scoped3A_31 : memref<!tpu.dma_semaphore, #tpu.memory_space<semaphore_mem>>)
        %dma_wait3A = arith.constant 0 : i32
        %dma_wait3A_35 = tpu.memref_slice %arg2[%add3A_23, %dma_wait3A] : memref<2560x128xi32, #tpu.memory_space<hbm>> -> memref<8x128xi32, #tpu.memory_space<hbm>>
        %dma_wait3A_36 = arith.constant 0 : i32
        %dma_wait3A_37 = tpu.memref_slice %arg2[%add3A_23, %dma_wait3A_36] : memref<2560x128xi32, #tpu.memory_space<hbm>> -> memref<8x128xi32, #tpu.memory_space<hbm>>
        tpu.wait_dma2 semaphore(%run_scoped3A_31 : memref<!tpu.dma_semaphore, #tpu.memory_space<semaphore_mem>>) src(%dma_wait3A_37 : memref<8x128xi32, #tpu.memory_space<hbm>>) dst(%arg6 : memref<8x128xi32, #tpu.memory_space<vmem>>)
        tpu.yield
      }) : () -> ()
      %run_scoped3A = arith.constant 0 : i32
      "tpu.region"() ({
        %run_scoped3A_31 = tpu.sem_alloc : memref<!tpu.dma_semaphore, #tpu.memory_space<semaphore_mem>>
        %dma_start3A = arith.constant 0 : i32
        %dma_start3A_32 = tpu.memref_slice %arg6[%run_scoped3A, %dma_start3A] : memref<8x128xi32, #tpu.memory_space<vmem>> -> memref<1x128xi32, #tpu.memory_space<vmem>>
        %dma_start3A_33 = tpu.memref_squeeze %dma_start3A_32 : memref<1x128xi32, #tpu.memory_space<vmem>> -> memref<128xi32, #tpu.memory_space<vmem>>
        %dma_start3A_34 = arith.constant 0 : i32
        %dma_start3A_35 = arith.constant 0 : i32
        %dma_start3A_36 = tpu.memref_slice %arg8[%dma_start3A_34, %dma_start3A_35] : memref<10240x16xf32, #tpu.memory_space<vmem_shared>> -> memref<10240x16xf32, #tpu.memory_space<vmem_shared>>
        tpu.enqueue_indirect_dma source(%arg7 : memref<128x16xf32, #tpu.memory_space<vmem>>) target(%dma_start3A_36 : memref<10240x16xf32, #tpu.memory_space<vmem_shared>>) offsets(%dma_start3A_33 : memref<128xi32, #tpu.memory_space<vmem>>) semaphore(%run_scoped3A_31 : memref<!tpu.dma_semaphore, #tpu.memory_space<semaphore_mem>>) {add = true}
        %dma_wait3A = arith.constant 0 : i32
        %dma_wait3A_37 = tpu.memref_slice %arg6[%run_scoped3A, %dma_wait3A] : memref<8x128xi32, #tpu.memory_space<vmem>> -> memref<1x128xi32, #tpu.memory_space<vmem>>
        %dma_wait3A_38 = tpu.memref_squeeze %dma_wait3A_37 : memref<1x128xi32, #tpu.memory_space<vmem>> -> memref<128xi32, #tpu.memory_space<vmem>>
        %dma_wait3A_39 = arith.constant 0 : i32
        %dma_wait3A_40 = arith.constant 0 : i32
        %dma_wait3A_41 = tpu.memref_slice %arg8[%dma_wait3A_39, %dma_wait3A_40] : memref<10240x16xf32, #tpu.memory_space<vmem_shared>> -> memref<10240x16xf32, #tpu.memory_space<vmem_shared>>
        tpu.wait_indirect_dma semaphore(%run_scoped3A_31 : memref<!tpu.dma_semaphore, #tpu.memory_space<semaphore_mem>>) src(%arg7 : memref<128x16xf32, #tpu.memory_space<vmem>>) dst(%dma_wait3A_41 : memref<10240x16xf32, #tpu.memory_space<vmem_shared>>)
        tpu.yield
      }) : () -> ()
      %run_scoped3A_24 = arith.constant 1 : i32
      "tpu.region"() ({
        %run_scoped3A_31 = tpu.sem_alloc : memref<!tpu.dma_semaphore, #tpu.memory_space<semaphore_mem>>
        %dma_start3A = arith.constant 0 : i32
        %dma_start3A_32 = tpu.memref_slice %arg6[%run_scoped3A_24, %dma_start3A] : memref<8x128xi32, #tpu.memory_space<vmem>> -> memref<1x128xi32, #tpu.memory_space<vmem>>
        %dma_start3A_33 = tpu.memref_squeeze %dma_start3A_32 : memref<1x128xi32, #tpu.memory_space<vmem>> -> memref<128xi32, #tpu.memory_space<vmem>>
        %dma_start3A_34 = arith.constant 0 : i32
        %dma_start3A_35 = arith.constant 0 : i32
        %dma_start3A_36 = tpu.memref_slice %arg8[%dma_start3A_34, %dma_start3A_35] : memref<10240x16xf32, #tpu.memory_space<vmem_shared>> -> memref<10240x16xf32, #tpu.memory_space<vmem_shared>>
        tpu.enqueue_indirect_dma source(%arg7 : memref<128x16xf32, #tpu.memory_space<vmem>>) target(%dma_start3A_36 : memref<10240x16xf32, #tpu.memory_space<vmem_shared>>) offsets(%dma_start3A_33 : memref<128xi32, #tpu.memory_space<vmem>>) semaphore(%run_scoped3A_31 : memref<!tpu.dma_semaphore, #tpu.memory_space<semaphore_mem>>) {add = true}
        %dma_wait3A = arith.constant 0 : i32
        %dma_wait3A_37 = tpu.memref_slice %arg6[%run_scoped3A_24, %dma_wait3A] : memref<8x128xi32, #tpu.memory_space<vmem>> -> memref<1x128xi32, #tpu.memory_space<vmem>>
        %dma_wait3A_38 = tpu.memref_squeeze %dma_wait3A_37 : memref<1x128xi32, #tpu.memory_space<vmem>> -> memref<128xi32, #tpu.memory_space<vmem>>
        %dma_wait3A_39 = arith.constant 0 : i32
        %dma_wait3A_40 = arith.constant 0 : i32
        %dma_wait3A_41 = tpu.memref_slice %arg8[%dma_wait3A_39, %dma_wait3A_40] : memref<10240x16xf32, #tpu.memory_space<vmem_shared>> -> memref<10240x16xf32, #tpu.memory_space<vmem_shared>>
        tpu.wait_indirect_dma semaphore(%run_scoped3A_31 : memref<!tpu.dma_semaphore, #tpu.memory_space<semaphore_mem>>) src(%arg7 : memref<128x16xf32, #tpu.memory_space<vmem>>) dst(%dma_wait3A_41 : memref<10240x16xf32, #tpu.memory_space<vmem_shared>>)
        tpu.yield
      }) : () -> ()
      %run_scoped3A_25 = arith.constant 2 : i32
      "tpu.region"() ({
        %run_scoped3A_31 = tpu.sem_alloc : memref<!tpu.dma_semaphore, #tpu.memory_space<semaphore_mem>>
        %dma_start3A = arith.constant 0 : i32
        %dma_start3A_32 = tpu.memref_slice %arg6[%run_scoped3A_25, %dma_start3A] : memref<8x128xi32, #tpu.memory_space<vmem>> -> memref<1x128xi32, #tpu.memory_space<vmem>>
        %dma_start3A_33 = tpu.memref_squeeze %dma_start3A_32 : memref<1x128xi32, #tpu.memory_space<vmem>> -> memref<128xi32, #tpu.memory_space<vmem>>
        %dma_start3A_34 = arith.constant 0 : i32
        %dma_start3A_35 = arith.constant 0 : i32
        %dma_start3A_36 = tpu.memref_slice %arg8[%dma_start3A_34, %dma_start3A_35] : memref<10240x16xf32, #tpu.memory_space<vmem_shared>> -> memref<10240x16xf32, #tpu.memory_space<vmem_shared>>
        tpu.enqueue_indirect_dma source(%arg7 : memref<128x16xf32, #tpu.memory_space<vmem>>) target(%dma_start3A_36 : memref<10240x16xf32, #tpu.memory_space<vmem_shared>>) offsets(%dma_start3A_33 : memref<128xi32, #tpu.memory_space<vmem>>) semaphore(%run_scoped3A_31 : memref<!tpu.dma_semaphore, #tpu.memory_space<semaphore_mem>>) {add = true}
        %dma_wait3A = arith.constant 0 : i32
        %dma_wait3A_37 = tpu.memref_slice %arg6[%run_scoped3A_25, %dma_wait3A] : memref<8x128xi32, #tpu.memory_space<vmem>> -> memref<1x128xi32, #tpu.memory_space<vmem>>
        %dma_wait3A_38 = tpu.memref_squeeze %dma_wait3A_37 : memref<1x128xi32, #tpu.memory_space<vmem>> -> memref<128xi32, #tpu.memory_space<vmem>>
        %dma_wait3A_39 = arith.constant 0 : i32
        %dma_wait3A_40 = arith.constant 0 : i32
        %dma_wait3A_41 = tpu.memref_slice %arg8[%dma_wait3A_39, %dma_wait3A_40] : memref<10240x16xf32, #tpu.memory_space<vmem_shared>> -> memref<10240x16xf32, #tpu.memory_space<vmem_shared>>
        tpu.wait_indirect_dma semaphore(%run_scoped3A_31 : memref<!tpu.dma_semaphore, #tpu.memory_space<semaphore_mem>>) src(%arg7 : memref<128x16xf32, #tpu.memory_space<vmem>>) dst(%dma_wait3A_41 : memref<10240x16xf32, #tpu.memory_space<vmem_shared>>)
        tpu.yield
      }) : () -> ()
      %run_scoped3A_26 = arith.constant 3 : i32
      "tpu.region"() ({
        %run_scoped3A_31 = tpu.sem_alloc : memref<!tpu.dma_semaphore, #tpu.memory_space<semaphore_mem>>
        %dma_start3A = arith.constant 0 : i32
        %dma_start3A_32 = tpu.memref_slice %arg6[%run_scoped3A_26, %dma_start3A] : memref<8x128xi32, #tpu.memory_space<vmem>> -> memref<1x128xi32, #tpu.memory_space<vmem>>
        %dma_start3A_33 = tpu.memref_squeeze %dma_start3A_32 : memref<1x128xi32, #tpu.memory_space<vmem>> -> memref<128xi32, #tpu.memory_space<vmem>>
        %dma_start3A_34 = arith.constant 0 : i32
        %dma_start3A_35 = arith.constant 0 : i32
        %dma_start3A_36 = tpu.memref_slice %arg8[%dma_start3A_34, %dma_start3A_35] : memref<10240x16xf32, #tpu.memory_space<vmem_shared>> -> memref<10240x16xf32, #tpu.memory_space<vmem_shared>>
        tpu.enqueue_indirect_dma source(%arg7 : memref<128x16xf32, #tpu.memory_space<vmem>>) target(%dma_start3A_36 : memref<10240x16xf32, #tpu.memory_space<vmem_shared>>) offsets(%dma_start3A_33 : memref<128xi32, #tpu.memory_space<vmem>>) semaphore(%run_scoped3A_31 : memref<!tpu.dma_semaphore, #tpu.memory_space<semaphore_mem>>) {add = true}
        %dma_wait3A = arith.constant 0 : i32
        %dma_wait3A_37 = tpu.memref_slice %arg6[%run_scoped3A_26, %dma_wait3A] : memref<8x128xi32, #tpu.memory_space<vmem>> -> memref<1x128xi32, #tpu.memory_space<vmem>>
        %dma_wait3A_38 = tpu.memref_squeeze %dma_wait3A_37 : memref<1x128xi32, #tpu.memory_space<vmem>> -> memref<128xi32, #tpu.memory_space<vmem>>
        %dma_wait3A_39 = arith.constant 0 : i32
        %dma_wait3A_40 = arith.constant 0 : i32
        %dma_wait3A_41 = tpu.memref_slice %arg8[%dma_wait3A_39, %dma_wait3A_40] : memref<10240x16xf32, #tpu.memory_space<vmem_shared>> -> memref<10240x16xf32, #tpu.memory_space<vmem_shared>>
        tpu.wait_indirect_dma semaphore(%run_scoped3A_31 : memref<!tpu.dma_semaphore, #tpu.memory_space<semaphore_mem>>) src(%arg7 : memref<128x16xf32, #tpu.memory_space<vmem>>) dst(%dma_wait3A_41 : memref<10240x16xf32, #tpu.memory_space<vmem_shared>>)
        tpu.yield
      }) : () -> ()
      %run_scoped3A_27 = arith.constant 4 : i32
      "tpu.region"() ({
        %run_scoped3A_31 = tpu.sem_alloc : memref<!tpu.dma_semaphore, #tpu.memory_space<semaphore_mem>>
        %dma_start3A = arith.constant 0 : i32
        %dma_start3A_32 = tpu.memref_slice %arg6[%run_scoped3A_27, %dma_start3A] : memref<8x128xi32, #tpu.memory_space<vmem>> -> memref<1x128xi32, #tpu.memory_space<vmem>>
        %dma_start3A_33 = tpu.memref_squeeze %dma_start3A_32 : memref<1x128xi32, #tpu.memory_space<vmem>> -> memref<128xi32, #tpu.memory_space<vmem>>
        %dma_start3A_34 = arith.constant 0 : i32
        %dma_start3A_35 = arith.constant 0 : i32
        %dma_start3A_36 = tpu.memref_slice %arg8[%dma_start3A_34, %dma_start3A_35] : memref<10240x16xf32, #tpu.memory_space<vmem_shared>> -> memref<10240x16xf32, #tpu.memory_space<vmem_shared>>
        tpu.enqueue_indirect_dma source(%arg7 : memref<128x16xf32, #tpu.memory_space<vmem>>) target(%dma_start3A_36 : memref<10240x16xf32, #tpu.memory_space<vmem_shared>>) offsets(%dma_start3A_33 : memref<128xi32, #tpu.memory_space<vmem>>) semaphore(%run_scoped3A_31 : memref<!tpu.dma_semaphore, #tpu.memory_space<semaphore_mem>>) {add = true}
        %dma_wait3A = arith.constant 0 : i32
        %dma_wait3A_37 = tpu.memref_slice %arg6[%run_scoped3A_27, %dma_wait3A] : memref<8x128xi32, #tpu.memory_space<vmem>> -> memref<1x128xi32, #tpu.memory_space<vmem>>
        %dma_wait3A_38 = tpu.memref_squeeze %dma_wait3A_37 : memref<1x128xi32, #tpu.memory_space<vmem>> -> memref<128xi32, #tpu.memory_space<vmem>>
        %dma_wait3A_39 = arith.constant 0 : i32
        %dma_wait3A_40 = arith.constant 0 : i32
        %dma_wait3A_41 = tpu.memref_slice %arg8[%dma_wait3A_39, %dma_wait3A_40] : memref<10240x16xf32, #tpu.memory_space<vmem_shared>> -> memref<10240x16xf32, #tpu.memory_space<vmem_shared>>
        tpu.wait_indirect_dma semaphore(%run_scoped3A_31 : memref<!tpu.dma_semaphore, #tpu.memory_space<semaphore_mem>>) src(%arg7 : memref<128x16xf32, #tpu.memory_space<vmem>>) dst(%dma_wait3A_41 : memref<10240x16xf32, #tpu.memory_space<vmem_shared>>)
        tpu.yield
      }) : () -> ()
      %run_scoped3A_28 = arith.constant 5 : i32
      "tpu.region"() ({
        %run_scoped3A_31 = tpu.sem_alloc : memref<!tpu.dma_semaphore, #tpu.memory_space<semaphore_mem>>
        %dma_start3A = arith.constant 0 : i32
        %dma_start3A_32 = tpu.memref_slice %arg6[%run_scoped3A_28, %dma_start3A] : memref<8x128xi32, #tpu.memory_space<vmem>> -> memref<1x128xi32, #tpu.memory_space<vmem>>
        %dma_start3A_33 = tpu.memref_squeeze %dma_start3A_32 : memref<1x128xi32, #tpu.memory_space<vmem>> -> memref<128xi32, #tpu.memory_space<vmem>>
        %dma_start3A_34 = arith.constant 0 : i32
        %dma_start3A_35 = arith.constant 0 : i32
        %dma_start3A_36 = tpu.memref_slice %arg8[%dma_start3A_34, %dma_start3A_35] : memref<10240x16xf32, #tpu.memory_space<vmem_shared>> -> memref<10240x16xf32, #tpu.memory_space<vmem_shared>>
        tpu.enqueue_indirect_dma source(%arg7 : memref<128x16xf32, #tpu.memory_space<vmem>>) target(%dma_start3A_36 : memref<10240x16xf32, #tpu.memory_space<vmem_shared>>) offsets(%dma_start3A_33 : memref<128xi32, #tpu.memory_space<vmem>>) semaphore(%run_scoped3A_31 : memref<!tpu.dma_semaphore, #tpu.memory_space<semaphore_mem>>) {add = true}
        %dma_wait3A = arith.constant 0 : i32
        %dma_wait3A_37 = tpu.memref_slice %arg6[%run_scoped3A_28, %dma_wait3A] : memref<8x128xi32, #tpu.memory_space<vmem>> -> memref<1x128xi32, #tpu.memory_space<vmem>>
        %dma_wait3A_38 = tpu.memref_squeeze %dma_wait3A_37 : memref<1x128xi32, #tpu.memory_space<vmem>> -> memref<128xi32, #tpu.memory_space<vmem>>
        %dma_wait3A_39 = arith.constant 0 : i32
        %dma_wait3A_40 = arith.constant 0 : i32
        %dma_wait3A_41 = tpu.memref_slice %arg8[%dma_wait3A_39, %dma_wait3A_40] : memref<10240x16xf32, #tpu.memory_space<vmem_shared>> -> memref<10240x16xf32, #tpu.memory_space<vmem_shared>>
        tpu.wait_indirect_dma semaphore(%run_scoped3A_31 : memref<!tpu.dma_semaphore, #tpu.memory_space<semaphore_mem>>) src(%arg7 : memref<128x16xf32, #tpu.memory_space<vmem>>) dst(%dma_wait3A_41 : memref<10240x16xf32, #tpu.memory_space<vmem_shared>>)
        tpu.yield
      }) : () -> ()
      %run_scoped3A_29 = arith.constant 6 : i32
      "tpu.region"() ({
        %run_scoped3A_31 = tpu.sem_alloc : memref<!tpu.dma_semaphore, #tpu.memory_space<semaphore_mem>>
        %dma_start3A = arith.constant 0 : i32
        %dma_start3A_32 = tpu.memref_slice %arg6[%run_scoped3A_29, %dma_start3A] : memref<8x128xi32, #tpu.memory_space<vmem>> -> memref<1x128xi32, #tpu.memory_space<vmem>>
        %dma_start3A_33 = tpu.memref_squeeze %dma_start3A_32 : memref<1x128xi32, #tpu.memory_space<vmem>> -> memref<128xi32, #tpu.memory_space<vmem>>
        %dma_start3A_34 = arith.constant 0 : i32
        %dma_start3A_35 = arith.constant 0 : i32
        %dma_start3A_36 = tpu.memref_slice %arg8[%dma_start3A_34, %dma_start3A_35] : memref<10240x16xf32, #tpu.memory_space<vmem_shared>> -> memref<10240x16xf32, #tpu.memory_space<vmem_shared>>
        tpu.enqueue_indirect_dma source(%arg7 : memref<128x16xf32, #tpu.memory_space<vmem>>) target(%dma_start3A_36 : memref<10240x16xf32, #tpu.memory_space<vmem_shared>>) offsets(%dma_start3A_33 : memref<128xi32, #tpu.memory_space<vmem>>) semaphore(%run_scoped3A_31 : memref<!tpu.dma_semaphore, #tpu.memory_space<semaphore_mem>>) {add = true}
        %dma_wait3A = arith.constant 0 : i32
        %dma_wait3A_37 = tpu.memref_slice %arg6[%run_scoped3A_29, %dma_wait3A] : memref<8x128xi32, #tpu.memory_space<vmem>> -> memref<1x128xi32, #tpu.memory_space<vmem>>
        %dma_wait3A_38 = tpu.memref_squeeze %dma_wait3A_37 : memref<1x128xi32, #tpu.memory_space<vmem>> -> memref<128xi32, #tpu.memory_space<vmem>>
        %dma_wait3A_39 = arith.constant 0 : i32
        %dma_wait3A_40 = arith.constant 0 : i32
        %dma_wait3A_41 = tpu.memref_slice %arg8[%dma_wait3A_39, %dma_wait3A_40] : memref<10240x16xf32, #tpu.memory_space<vmem_shared>> -> memref<10240x16xf32, #tpu.memory_space<vmem_shared>>
        tpu.wait_indirect_dma semaphore(%run_scoped3A_31 : memref<!tpu.dma_semaphore, #tpu.memory_space<semaphore_mem>>) src(%arg7 : memref<128x16xf32, #tpu.memory_space<vmem>>) dst(%dma_wait3A_41 : memref<10240x16xf32, #tpu.memory_space<vmem_shared>>)
        tpu.yield
      }) : () -> ()
      %run_scoped3A_30 = arith.constant 7 : i32
      "tpu.region"() ({
        %run_scoped3A_31 = tpu.sem_alloc : memref<!tpu.dma_semaphore, #tpu.memory_space<semaphore_mem>>
        %dma_start3A = arith.constant 0 : i32
        %dma_start3A_32 = tpu.memref_slice %arg6[%run_scoped3A_30, %dma_start3A] : memref<8x128xi32, #tpu.memory_space<vmem>> -> memref<1x128xi32, #tpu.memory_space<vmem>>
        %dma_start3A_33 = tpu.memref_squeeze %dma_start3A_32 : memref<1x128xi32, #tpu.memory_space<vmem>> -> memref<128xi32, #tpu.memory_space<vmem>>
        %dma_start3A_34 = arith.constant 0 : i32
        %dma_start3A_35 = arith.constant 0 : i32
        %dma_start3A_36 = tpu.memref_slice %arg8[%dma_start3A_34, %dma_start3A_35] : memref<10240x16xf32, #tpu.memory_space<vmem_shared>> -> memref<10240x16xf32, #tpu.memory_space<vmem_shared>>
        tpu.enqueue_indirect_dma source(%arg7 : memref<128x16xf32, #tpu.memory_space<vmem>>) target(%dma_start3A_36 : memref<10240x16xf32, #tpu.memory_space<vmem_shared>>) offsets(%dma_start3A_33 : memref<128xi32, #tpu.memory_space<vmem>>) semaphore(%run_scoped3A_31 : memref<!tpu.dma_semaphore, #tpu.memory_space<semaphore_mem>>) {add = true}
        %dma_wait3A = arith.constant 0 : i32
        %dma_wait3A_37 = tpu.memref_slice %arg6[%run_scoped3A_30, %dma_wait3A] : memref<8x128xi32, #tpu.memory_space<vmem>> -> memref<1x128xi32, #tpu.memory_space<vmem>>
        %dma_wait3A_38 = tpu.memref_squeeze %dma_wait3A_37 : memref<1x128xi32, #tpu.memory_space<vmem>> -> memref<128xi32, #tpu.memory_space<vmem>>
        %dma_wait3A_39 = arith.constant 0 : i32
        %dma_wait3A_40 = arith.constant 0 : i32
        %dma_wait3A_41 = tpu.memref_slice %arg8[%dma_wait3A_39, %dma_wait3A_40] : memref<10240x16xf32, #tpu.memory_space<vmem_shared>> -> memref<10240x16xf32, #tpu.memory_space<vmem_shared>>
        tpu.wait_indirect_dma semaphore(%run_scoped3A_31 : memref<!tpu.dma_semaphore, #tpu.memory_space<semaphore_mem>>) src(%arg7 : memref<128x16xf32, #tpu.memory_space<vmem>>) dst(%dma_wait3A_41 : memref<10240x16xf32, #tpu.memory_space<vmem_shared>>)
        tpu.yield
      }) : () -> ()
    }
    %scan3A_9 = arith.constant 10 : i32
    %barrier3A_10 = arith.constant 0 : index
    tpu.barrier barrier_id(%barrier3A_10)
    %mul3A_11 = arith.constant 640 : i32
    %mul3A_12 = arith.muli %arg1, %mul3A_11 : i32
    %mul3A_13 = arith.constant 10240 : i32
    %mul3A_14 = arith.muli %arg0, %mul3A_13 : i32
    %mul3A_15 = arith.constant 640 : i32
    %mul3A_16 = arith.muli %arg1, %mul3A_15 : i32
    %add3A_17 = arith.addi %mul3A_14, %mul3A_16 : i32
    "tpu.region"() ({
      %run_scoped3A = tpu.sem_alloc : memref<!tpu.dma_semaphore, #tpu.memory_space<semaphore_mem>>
      %dma_start3A = arith.constant 0 : i32
      %dma_start3A_18 = tpu.memref_slice %arg5[%add3A_17, %dma_start3A] : memref<20480x16xf32, #tpu.memory_space<hbm>> -> memref<640x16xf32, #tpu.memory_space<hbm>>
      %dma_start3A_19 = arith.constant 0 : i32
      %dma_start3A_20 = tpu.memref_slice %arg8[%mul3A_12, %dma_start3A_19] : memref<10240x16xf32, #tpu.memory_space<vmem_shared>> -> memref<640x16xf32, #tpu.memory_space<vmem_shared>>
      tpu.enqueue_dma source(%dma_start3A_20 : memref<640x16xf32, #tpu.memory_space<vmem_shared>>) target(%dma_start3A_18 : memref<640x16xf32, #tpu.memory_space<hbm>>) target_semaphore(%run_scoped3A : memref<!tpu.dma_semaphore, #tpu.memory_space<semaphore_mem>>)
      %dma_wait3A = arith.constant 0 : i32
      %dma_wait3A_21 = tpu.memref_slice %arg5[%add3A_17, %dma_wait3A] : memref<20480x16xf32, #tpu.memory_space<hbm>> -> memref<640x16xf32, #tpu.memory_space<hbm>>
      %dma_wait3A_22 = arith.constant 0 : i32
      %dma_wait3A_23 = tpu.memref_slice %arg8[%mul3A_12, %dma_wait3A_22] : memref<10240x16xf32, #tpu.memory_space<vmem_shared>> -> memref<640x16xf32, #tpu.memory_space<vmem_shared>>
      tpu.wait_dma2 semaphore(%run_scoped3A : memref<!tpu.dma_semaphore, #tpu.memory_space<semaphore_mem>>) src(%dma_wait3A_23 : memref<640x16xf32, #tpu.memory_space<vmem_shared>>) dst(%dma_wait3A_21 : memref<640x16xf32, #tpu.memory_space<hbm>>)
      tpu.yield
    }) : () -> ()
    return
  }
}

#map = affine_map<(d0, d1) -> (0, 0)>
module attributes {stable_mosaic.version = 14 : i64} {
  func.func @k(%arg0: i32, %arg1: i32, %arg2: memref<10240x64xf32, #tpu.memory_space<hbm>>, %arg3: memref<2560x128xi32, #tpu.memory_space<hbm>>, %arg4: memref<2560x128xi32, #tpu.memory_space<hbm>>, %arg5: memref<10240x64xf32, #tpu.memory_space<hbm>>, %arg6: memref<20480x64xf32, #tpu.memory_space<hbm>>, %arg7: memref<8x128xi32, #tpu.memory_space<vmem>>, %arg8: memref<8x128xi32, #tpu.memory_space<vmem>>, %arg9: memref<1024x64xf32, #tpu.memory_space<vmem>>, %arg10: memref<10240x64xf32, #tpu.memory_space<vmem_shared>>, %arg11: memref<!tpu.dma_semaphore, #tpu.memory_space<semaphore_mem>>, %arg12: memref<!tpu.dma_semaphore, #tpu.memory_space<semaphore_mem>>, %arg13: memref<!tpu.dma_semaphore, #tpu.memory_space<semaphore_mem>>, %arg14: memref<!tpu.dma_semaphore, #tpu.memory_space<semaphore_mem>>) attributes {dimension_semantics = [#tpu.dimension_semantics<core_parallel>, #tpu.dimension_semantics<subcore_parallel>], iteration_bounds = array<i64: 2, 16>, scalar_prefetch = 0 : i64, scratch_operands = 8 : i64, tpu.core_type = #tpu.core_type<sc_vector_subcore>, window_params = [{transform_indices = #map}, {transform_indices = #map}, {transform_indices = #map}, {transform_indices = #map}, {transform_indices = #map}]} {
    %eq3A = arith.constant 0 : i32
    %eq3A_0 = arith.cmpi eq, %arg0, %eq3A : i32
    %mul3A = arith.constant 120 : i32
    %mul3A_1 = arith.muli %arg1, %mul3A : i32
    %mul3A_2 = arith.constant 40 : i32
    %mul3A_3 = arith.muli %arg1, %mul3A_2 : i32
    %add3A = arith.constant 1920 : i32
    %add3A_4 = arith.addi %add3A, %mul3A_3 : i32
    %select_n3A = arith.select %eq3A_0, %mul3A_1, %add3A_4 : i32
    %eq3A_5 = arith.constant 0 : i32
    %eq3A_6 = arith.cmpi eq, %arg0, %eq3A_5 : i32
    %jit3A = arith.constant 15 : i32
    %jit3A_7 = arith.constant 5 : i32
    %select_n3A_8 = arith.select %eq3A_6, %jit3A, %jit3A_7 : i32
    %mul3A_9 = arith.constant 640 : i32
    %mul3A_10 = arith.muli %arg1, %mul3A_9 : i32
    %mul3A_11 = arith.constant 640 : i32
    %mul3A_12 = arith.muli %arg1, %mul3A_11 : i32
    "tpu.region"() ({
      %run_scoped3A = tpu.sem_alloc : memref<!tpu.dma_semaphore, #tpu.memory_space<semaphore_mem>>
      %dma_start3A_94 = arith.constant 0 : i32
      %dma_start3A_95 = tpu.memref_slice %arg10[%mul3A_12, %dma_start3A_94] : memref<10240x64xf32, #tpu.memory_space<vmem_shared>> -> memref<640x64xf32, #tpu.memory_space<vmem_shared>>
      %dma_start3A_96 = arith.constant 0 : i32
      %dma_start3A_97 = tpu.memref_slice %arg5[%mul3A_10, %dma_start3A_96] : memref<10240x64xf32, #tpu.memory_space<hbm>> -> memref<640x64xf32, #tpu.memory_space<hbm>>
      tpu.enqueue_dma source(%dma_start3A_97 : memref<640x64xf32, #tpu.memory_space<hbm>>) target(%dma_start3A_95 : memref<640x64xf32, #tpu.memory_space<vmem_shared>>) target_semaphore(%run_scoped3A : memref<!tpu.dma_semaphore, #tpu.memory_space<semaphore_mem>>)
      %dma_wait3A_98 = arith.constant 0 : i32
      %dma_wait3A_99 = tpu.memref_slice %arg10[%mul3A_12, %dma_wait3A_98] : memref<10240x64xf32, #tpu.memory_space<vmem_shared>> -> memref<640x64xf32, #tpu.memory_space<vmem_shared>>
      %dma_wait3A_100 = arith.constant 0 : i32
      %dma_wait3A_101 = tpu.memref_slice %arg5[%mul3A_10, %dma_wait3A_100] : memref<10240x64xf32, #tpu.memory_space<hbm>> -> memref<640x64xf32, #tpu.memory_space<hbm>>
      tpu.wait_dma2 semaphore(%run_scoped3A : memref<!tpu.dma_semaphore, #tpu.memory_space<semaphore_mem>>) src(%dma_wait3A_101 : memref<640x64xf32, #tpu.memory_space<hbm>>) dst(%dma_wait3A_99 : memref<640x64xf32, #tpu.memory_space<vmem_shared>>)
      tpu.yield
    }) : () -> ()
    %barrier3A = arith.constant 0 : index
    tpu.barrier barrier_id(%barrier3A)
    %add3A_13 = arith.constant 0 : i32
    %add3A_14 = arith.addi %select_n3A, %add3A_13 : i32
    "tpu.region"() ({
      %run_scoped3A = tpu.sem_alloc : memref<!tpu.dma_semaphore, #tpu.memory_space<semaphore_mem>>
      %dma_start3A_94 = arith.constant 0 : i32
      %dma_start3A_95 = arith.constant 0 : i32
      %dma_start3A_96 = tpu.memref_slice %arg7[%dma_start3A_94, %dma_start3A_95] : memref<8x128xi32, #tpu.memory_space<vmem>> -> memref<4x128xi32, #tpu.memory_space<vmem>>
      %dma_start3A_97 = arith.constant 0 : i32
      %dma_start3A_98 = tpu.memref_slice %arg3[%add3A_14, %dma_start3A_97] : memref<2560x128xi32, #tpu.memory_space<hbm>> -> memref<4x128xi32, #tpu.memory_space<hbm>>
      %dma_start3A_99 = arith.constant 0 : i32
      %dma_start3A_100 = arith.constant 0 : i32
      %dma_start3A_101 = tpu.memref_slice %arg7[%dma_start3A_99, %dma_start3A_100] : memref<8x128xi32, #tpu.memory_space<vmem>> -> memref<4x128xi32, #tpu.memory_space<vmem>>
      %dma_start3A_102 = arith.constant 0 : i32
      %dma_start3A_103 = tpu.memref_slice %arg3[%add3A_14, %dma_start3A_102] : memref<2560x128xi32, #tpu.memory_space<hbm>> -> memref<4x128xi32, #tpu.memory_space<hbm>>
      tpu.enqueue_dma source(%dma_start3A_103 : memref<4x128xi32, #tpu.memory_space<hbm>>) target(%dma_start3A_101 : memref<4x128xi32, #tpu.memory_space<vmem>>) target_semaphore(%run_scoped3A : memref<!tpu.dma_semaphore, #tpu.memory_space<semaphore_mem>>)
      %dma_wait3A_104 = arith.constant 0 : i32
      %dma_wait3A_105 = arith.constant 0 : i32
      %dma_wait3A_106 = tpu.memref_slice %arg7[%dma_wait3A_104, %dma_wait3A_105] : memref<8x128xi32, #tpu.memory_space<vmem>> -> memref<4x128xi32, #tpu.memory_space<vmem>>
      %dma_wait3A_107 = arith.constant 0 : i32
      %dma_wait3A_108 = tpu.memref_slice %arg3[%add3A_14, %dma_wait3A_107] : memref<2560x128xi32, #tpu.memory_space<hbm>> -> memref<4x128xi32, #tpu.memory_space<hbm>>
      %dma_wait3A_109 = arith.constant 0 : i32
      %dma_wait3A_110 = arith.constant 0 : i32
      %dma_wait3A_111 = tpu.memref_slice %arg7[%dma_wait3A_109, %dma_wait3A_110] : memref<8x128xi32, #tpu.memory_space<vmem>> -> memref<4x128xi32, #tpu.memory_space<vmem>>
      %dma_wait3A_112 = arith.constant 0 : i32
      %dma_wait3A_113 = tpu.memref_slice %arg3[%add3A_14, %dma_wait3A_112] : memref<2560x128xi32, #tpu.memory_space<hbm>> -> memref<4x128xi32, #tpu.memory_space<hbm>>
      tpu.wait_dma2 semaphore(%run_scoped3A : memref<!tpu.dma_semaphore, #tpu.memory_space<semaphore_mem>>) src(%dma_wait3A_113 : memref<4x128xi32, #tpu.memory_space<hbm>>) dst(%dma_wait3A_111 : memref<4x128xi32, #tpu.memory_space<vmem>>)
      tpu.yield
    }) : () -> ()
    "tpu.region"() ({
      %run_scoped3A = tpu.sem_alloc : memref<!tpu.dma_semaphore, #tpu.memory_space<semaphore_mem>>
      %dma_start3A_94 = arith.constant 0 : i32
      %dma_start3A_95 = arith.constant 0 : i32
      %dma_start3A_96 = tpu.memref_slice %arg8[%dma_start3A_94, %dma_start3A_95] : memref<8x128xi32, #tpu.memory_space<vmem>> -> memref<4x128xi32, #tpu.memory_space<vmem>>
      %dma_start3A_97 = arith.constant 0 : i32
      %dma_start3A_98 = tpu.memref_slice %arg4[%add3A_14, %dma_start3A_97] : memref<2560x128xi32, #tpu.memory_space<hbm>> -> memref<4x128xi32, #tpu.memory_space<hbm>>
      %dma_start3A_99 = arith.constant 0 : i32
      %dma_start3A_100 = arith.constant 0 : i32
      %dma_start3A_101 = tpu.memref_slice %arg8[%dma_start3A_99, %dma_start3A_100] : memref<8x128xi32, #tpu.memory_space<vmem>> -> memref<4x128xi32, #tpu.memory_space<vmem>>
      %dma_start3A_102 = arith.constant 0 : i32
      %dma_start3A_103 = tpu.memref_slice %arg4[%add3A_14, %dma_start3A_102] : memref<2560x128xi32, #tpu.memory_space<hbm>> -> memref<4x128xi32, #tpu.memory_space<hbm>>
      tpu.enqueue_dma source(%dma_start3A_103 : memref<4x128xi32, #tpu.memory_space<hbm>>) target(%dma_start3A_101 : memref<4x128xi32, #tpu.memory_space<vmem>>) target_semaphore(%run_scoped3A : memref<!tpu.dma_semaphore, #tpu.memory_space<semaphore_mem>>)
      %dma_wait3A_104 = arith.constant 0 : i32
      %dma_wait3A_105 = arith.constant 0 : i32
      %dma_wait3A_106 = tpu.memref_slice %arg8[%dma_wait3A_104, %dma_wait3A_105] : memref<8x128xi32, #tpu.memory_space<vmem>> -> memref<4x128xi32, #tpu.memory_space<vmem>>
      %dma_wait3A_107 = arith.constant 0 : i32
      %dma_wait3A_108 = tpu.memref_slice %arg4[%add3A_14, %dma_wait3A_107] : memref<2560x128xi32, #tpu.memory_space<hbm>> -> memref<4x128xi32, #tpu.memory_space<hbm>>
      %dma_wait3A_109 = arith.constant 0 : i32
      %dma_wait3A_110 = arith.constant 0 : i32
      %dma_wait3A_111 = tpu.memref_slice %arg8[%dma_wait3A_109, %dma_wait3A_110] : memref<8x128xi32, #tpu.memory_space<vmem>> -> memref<4x128xi32, #tpu.memory_space<vmem>>
      %dma_wait3A_112 = arith.constant 0 : i32
      %dma_wait3A_113 = tpu.memref_slice %arg4[%add3A_14, %dma_wait3A_112] : memref<2560x128xi32, #tpu.memory_space<hbm>> -> memref<4x128xi32, #tpu.memory_space<hbm>>
      tpu.wait_dma2 semaphore(%run_scoped3A : memref<!tpu.dma_semaphore, #tpu.memory_space<semaphore_mem>>) src(%dma_wait3A_113 : memref<4x128xi32, #tpu.memory_space<hbm>>) dst(%dma_wait3A_111 : memref<4x128xi32, #tpu.memory_space<vmem>>)
      tpu.yield
    }) : () -> ()
    %dma_start3A = arith.constant 0 : i32
    %dma_start3A_15 = arith.constant 0 : i32
    %dma_start3A_16 = arith.constant 0 : i32
    %dma_start3A_17 = tpu.memref_slice %arg9[%dma_start3A_15, %dma_start3A_16] : memref<1024x64xf32, #tpu.memory_space<vmem>> -> memref<128x64xf32, #tpu.memory_space<vmem>>
    %dma_start3A_18 = arith.constant 0 : i32
    %dma_start3A_19 = tpu.memref_slice %arg7[%dma_start3A, %dma_start3A_18] : memref<8x128xi32, #tpu.memory_space<vmem>> -> memref<1x128xi32, #tpu.memory_space<vmem>>
    %dma_start3A_20 = tpu.memref_squeeze %dma_start3A_19 : memref<1x128xi32, #tpu.memory_space<vmem>> -> memref<128xi32, #tpu.memory_space<vmem>>
    %dma_start3A_21 = arith.constant 0 : i32
    %dma_start3A_22 = arith.constant 0 : i32
    %dma_start3A_23 = tpu.memref_slice %arg2[%dma_start3A_21, %dma_start3A_22] : memref<10240x64xf32, #tpu.memory_space<hbm>> -> memref<10240x64xf32, #tpu.memory_space<hbm>>
    tpu.enqueue_indirect_dma source(%dma_start3A_23 : memref<10240x64xf32, #tpu.memory_space<hbm>>) target(%dma_start3A_17 : memref<128x64xf32, #tpu.memory_space<vmem>>) offsets(%dma_start3A_20 : memref<128xi32, #tpu.memory_space<vmem>>) semaphore(%arg11 : memref<!tpu.dma_semaphore, #tpu.memory_space<semaphore_mem>>)
    %dma_start3A_24 = arith.constant 1 : i32
    %dma_start3A_25 = arith.constant 128 : i32
    %dma_start3A_26 = arith.constant 0 : i32
    %dma_start3A_27 = tpu.memref_slice %arg9[%dma_start3A_25, %dma_start3A_26] : memref<1024x64xf32, #tpu.memory_space<vmem>> -> memref<128x64xf32, #tpu.memory_space<vmem>>
    %dma_start3A_28 = arith.constant 0 : i32
    %dma_start3A_29 = tpu.memref_slice %arg7[%dma_start3A_24, %dma_start3A_28] : memref<8x128xi32, #tpu.memory_space<vmem>> -> memref<1x128xi32, #tpu.memory_space<vmem>>
    %dma_start3A_30 = tpu.memref_squeeze %dma_start3A_29 : memref<1x128xi32, #tpu.memory_space<vmem>> -> memref<128xi32, #tpu.memory_space<vmem>>
    %dma_start3A_31 = arith.constant 0 : i32
    %dma_start3A_32 = arith.constant 0 : i32
    %dma_start3A_33 = tpu.memref_slice %arg2[%dma_start3A_31, %dma_start3A_32] : memref<10240x64xf32, #tpu.memory_space<hbm>> -> memref<10240x64xf32, #tpu.memory_space<hbm>>
    tpu.enqueue_indirect_dma source(%dma_start3A_33 : memref<10240x64xf32, #tpu.memory_space<hbm>>) target(%dma_start3A_27 : memref<128x64xf32, #tpu.memory_space<vmem>>) offsets(%dma_start3A_30 : memref<128xi32, #tpu.memory_space<vmem>>) semaphore(%arg11 : memref<!tpu.dma_semaphore, #tpu.memory_space<semaphore_mem>>)
    %dma_start3A_34 = arith.constant 2 : i32
    %dma_start3A_35 = arith.constant 256 : i32
    %dma_start3A_36 = arith.constant 0 : i32
    %dma_start3A_37 = tpu.memref_slice %arg9[%dma_start3A_35, %dma_start3A_36] : memref<1024x64xf32, #tpu.memory_space<vmem>> -> memref<128x64xf32, #tpu.memory_space<vmem>>
    %dma_start3A_38 = arith.constant 0 : i32
    %dma_start3A_39 = tpu.memref_slice %arg7[%dma_start3A_34, %dma_start3A_38] : memref<8x128xi32, #tpu.memory_space<vmem>> -> memref<1x128xi32, #tpu.memory_space<vmem>>
    %dma_start3A_40 = tpu.memref_squeeze %dma_start3A_39 : memref<1x128xi32, #tpu.memory_space<vmem>> -> memref<128xi32, #tpu.memory_space<vmem>>
    %dma_start3A_41 = arith.constant 0 : i32
    %dma_start3A_42 = arith.constant 0 : i32
    %dma_start3A_43 = tpu.memref_slice %arg2[%dma_start3A_41, %dma_start3A_42] : memref<10240x64xf32, #tpu.memory_space<hbm>> -> memref<10240x64xf32, #tpu.memory_space<hbm>>
    tpu.enqueue_indirect_dma source(%dma_start3A_43 : memref<10240x64xf32, #tpu.memory_space<hbm>>) target(%dma_start3A_37 : memref<128x64xf32, #tpu.memory_space<vmem>>) offsets(%dma_start3A_40 : memref<128xi32, #tpu.memory_space<vmem>>) semaphore(%arg11 : memref<!tpu.dma_semaphore, #tpu.memory_space<semaphore_mem>>)
    %dma_start3A_44 = arith.constant 3 : i32
    %dma_start3A_45 = arith.constant 384 : i32
    %dma_start3A_46 = arith.constant 0 : i32
    %dma_start3A_47 = tpu.memref_slice %arg9[%dma_start3A_45, %dma_start3A_46] : memref<1024x64xf32, #tpu.memory_space<vmem>> -> memref<128x64xf32, #tpu.memory_space<vmem>>
    %dma_start3A_48 = arith.constant 0 : i32
    %dma_start3A_49 = tpu.memref_slice %arg7[%dma_start3A_44, %dma_start3A_48] : memref<8x128xi32, #tpu.memory_space<vmem>> -> memref<1x128xi32, #tpu.memory_space<vmem>>
    %dma_start3A_50 = tpu.memref_squeeze %dma_start3A_49 : memref<1x128xi32, #tpu.memory_space<vmem>> -> memref<128xi32, #tpu.memory_space<vmem>>
    %dma_start3A_51 = arith.constant 0 : i32
    %dma_start3A_52 = arith.constant 0 : i32
    %dma_start3A_53 = tpu.memref_slice %arg2[%dma_start3A_51, %dma_start3A_52] : memref<10240x64xf32, #tpu.memory_space<hbm>> -> memref<10240x64xf32, #tpu.memory_space<hbm>>
    tpu.enqueue_indirect_dma source(%dma_start3A_53 : memref<10240x64xf32, #tpu.memory_space<hbm>>) target(%dma_start3A_47 : memref<128x64xf32, #tpu.memory_space<vmem>>) offsets(%dma_start3A_50 : memref<128xi32, #tpu.memory_space<vmem>>) semaphore(%arg11 : memref<!tpu.dma_semaphore, #tpu.memory_space<semaphore_mem>>)
    %while3A = arith.constant 0 : i32
    %while3A_54 = arith.constant 0 : i32
    %while3A_55 = arith.subi %select_n3A_8, %while3A_54 : i32
    %while3A_56 = arith.addi %while3A_54, %while3A_55 : i32
    %while3A_57 = arith.constant 1 : i32
    %while3A_58 = arith.divsi %while3A_55, %while3A_57 : i32
    %while3A_59 = arith.muli %while3A_58, %while3A_57 : i32
    %while3A_60 = arith.addi %while3A_54, %while3A_59 : i32
    %while3A_61 = arith.constant 1 : i32
    scf.for %while3A_94 = %while3A_54 to %while3A_60 step %while3A_61  : i32 {
      %ge3A = arith.constant 1 : i32
      %ge3A_95 = arith.cmpi sge, %while3A_94, %ge3A : i32
      %convert_element_type3A = arith.extui %ge3A_95 : i1 to i32
      %cond3A = arith.constant 0 : i32
      %cond3A_96 = arith.cmpi ne, %convert_element_type3A, %cond3A : i32
      scf.if %cond3A_96 {
        %dma_wait3A_253 = arith.constant 512 : i32
        %dma_wait3A_254 = arith.constant 0 : i32
        %dma_wait3A_255 = tpu.memref_slice %arg9[%dma_wait3A_253, %dma_wait3A_254] : memref<1024x64xf32, #tpu.memory_space<vmem>> -> memref<512x64xf32, #tpu.memory_space<vmem>>
        %dma_wait3A_256 = arith.constant 0 : i32
        %dma_wait3A_257 = arith.constant 0 : i32
        %dma_wait3A_258 = tpu.memref_slice %arg2[%dma_wait3A_256, %dma_wait3A_257] : memref<10240x64xf32, #tpu.memory_space<hbm>> -> memref<512x64xf32, #tpu.memory_space<hbm>>
        %dma_wait3A_259 = arith.constant 512 : i32
        %dma_wait3A_260 = arith.constant 0 : i32
        %dma_wait3A_261 = tpu.memref_slice %arg9[%dma_wait3A_259, %dma_wait3A_260] : memref<1024x64xf32, #tpu.memory_space<vmem>> -> memref<512x64xf32, #tpu.memory_space<vmem>>
        %dma_wait3A_262 = arith.constant 0 : i32
        %dma_wait3A_263 = arith.constant 0 : i32
        %dma_wait3A_264 = tpu.memref_slice %arg2[%dma_wait3A_262, %dma_wait3A_263] : memref<10240x64xf32, #tpu.memory_space<hbm>> -> memref<512x64xf32, #tpu.memory_space<hbm>>
        tpu.wait_dma2 semaphore(%arg14 : memref<!tpu.dma_semaphore, #tpu.memory_space<semaphore_mem>>) src(%dma_wait3A_264 : memref<512x64xf32, #tpu.memory_space<hbm>>) dst(%dma_wait3A_261 : memref<512x64xf32, #tpu.memory_space<vmem>>)
      } else {
      }
      %mul3A_97 = arith.constant 2 : i32
      %mul3A_98 = arith.muli %mul3A_97, %while3A_94 : i32
      %add3A_99 = arith.constant 1 : i32
      %add3A_100 = arith.addi %mul3A_98, %add3A_99 : i32
      %mul3A_101 = arith.constant 4 : i32
      %mul3A_102 = arith.muli %add3A_100, %mul3A_101 : i32
      %add3A_103 = arith.addi %select_n3A, %mul3A_102 : i32
      "tpu.region"() ({
        %run_scoped3A = tpu.sem_alloc : memref<!tpu.dma_semaphore, #tpu.memory_space<semaphore_mem>>
        %dma_start3A_253 = arith.constant 4 : i32
        %dma_start3A_254 = arith.constant 0 : i32
        %dma_start3A_255 = tpu.memref_slice %arg7[%dma_start3A_253, %dma_start3A_254] : memref<8x128xi32, #tpu.memory_space<vmem>> -> memref<4x128xi32, #tpu.memory_space<vmem>>
        %dma_start3A_256 = arith.constant 0 : i32
        %dma_start3A_257 = tpu.memref_slice %arg3[%add3A_103, %dma_start3A_256] : memref<2560x128xi32, #tpu.memory_space<hbm>> -> memref<4x128xi32, #tpu.memory_space<hbm>>
        %dma_start3A_258 = arith.constant 4 : i32
        %dma_start3A_259 = arith.constant 0 : i32
        %dma_start3A_260 = tpu.memref_slice %arg7[%dma_start3A_258, %dma_start3A_259] : memref<8x128xi32, #tpu.memory_space<vmem>> -> memref<4x128xi32, #tpu.memory_space<vmem>>
        %dma_start3A_261 = arith.constant 0 : i32
        %dma_start3A_262 = tpu.memref_slice %arg3[%add3A_103, %dma_start3A_261] : memref<2560x128xi32, #tpu.memory_space<hbm>> -> memref<4x128xi32, #tpu.memory_space<hbm>>
        tpu.enqueue_dma source(%dma_start3A_262 : memref<4x128xi32, #tpu.memory_space<hbm>>) target(%dma_start3A_260 : memref<4x128xi32, #tpu.memory_space<vmem>>) target_semaphore(%run_scoped3A : memref<!tpu.dma_semaphore, #tpu.memory_space<semaphore_mem>>)
        %dma_wait3A_263 = arith.constant 4 : i32
        %dma_wait3A_264 = arith.constant 0 : i32
        %dma_wait3A_265 = tpu.memref_slice %arg7[%dma_wait3A_263, %dma_wait3A_264] : memref<8x128xi32, #tpu.memory_space<vmem>> -> memref<4x128xi32, #tpu.memory_space<vmem>>
        %dma_wait3A_266 = arith.constant 0 : i32
        %dma_wait3A_267 = tpu.memref_slice %arg3[%add3A_103, %dma_wait3A_266] : memref<2560x128xi32, #tpu.memory_space<hbm>> -> memref<4x128xi32, #tpu.memory_space<hbm>>
        %dma_wait3A_268 = arith.constant 4 : i32
        %dma_wait3A_269 = arith.constant 0 : i32
        %dma_wait3A_270 = tpu.memref_slice %arg7[%dma_wait3A_268, %dma_wait3A_269] : memref<8x128xi32, #tpu.memory_space<vmem>> -> memref<4x128xi32, #tpu.memory_space<vmem>>
        %dma_wait3A_271 = arith.constant 0 : i32
        %dma_wait3A_272 = tpu.memref_slice %arg3[%add3A_103, %dma_wait3A_271] : memref<2560x128xi32, #tpu.memory_space<hbm>> -> memref<4x128xi32, #tpu.memory_space<hbm>>
        tpu.wait_dma2 semaphore(%run_scoped3A : memref<!tpu.dma_semaphore, #tpu.memory_space<semaphore_mem>>) src(%dma_wait3A_272 : memref<4x128xi32, #tpu.memory_space<hbm>>) dst(%dma_wait3A_270 : memref<4x128xi32, #tpu.memory_space<vmem>>)
        tpu.yield
      }) : () -> ()
      "tpu.region"() ({
        %run_scoped3A = tpu.sem_alloc : memref<!tpu.dma_semaphore, #tpu.memory_space<semaphore_mem>>
        %dma_start3A_253 = arith.constant 4 : i32
        %dma_start3A_254 = arith.constant 0 : i32
        %dma_start3A_255 = tpu.memref_slice %arg8[%dma_start3A_253, %dma_start3A_254] : memref<8x128xi32, #tpu.memory_space<vmem>> -> memref<4x128xi32, #tpu.memory_space<vmem>>
        %dma_start3A_256 = arith.constant 0 : i32
        %dma_start3A_257 = tpu.memref_slice %arg4[%add3A_103, %dma_start3A_256] : memref<2560x128xi32, #tpu.memory_space<hbm>> -> memref<4x128xi32, #tpu.memory_space<hbm>>
        %dma_start3A_258 = arith.constant 4 : i32
        %dma_start3A_259 = arith.constant 0 : i32
        %dma_start3A_260 = tpu.memref_slice %arg8[%dma_start3A_258, %dma_start3A_259] : memref<8x128xi32, #tpu.memory_space<vmem>> -> memref<4x128xi32, #tpu.memory_space<vmem>>
        %dma_start3A_261 = arith.constant 0 : i32
        %dma_start3A_262 = tpu.memref_slice %arg4[%add3A_103, %dma_start3A_261] : memref<2560x128xi32, #tpu.memory_space<hbm>> -> memref<4x128xi32, #tpu.memory_space<hbm>>
        tpu.enqueue_dma source(%dma_start3A_262 : memref<4x128xi32, #tpu.memory_space<hbm>>) target(%dma_start3A_260 : memref<4x128xi32, #tpu.memory_space<vmem>>) target_semaphore(%run_scoped3A : memref<!tpu.dma_semaphore, #tpu.memory_space<semaphore_mem>>)
        %dma_wait3A_263 = arith.constant 4 : i32
        %dma_wait3A_264 = arith.constant 0 : i32
        %dma_wait3A_265 = tpu.memref_slice %arg8[%dma_wait3A_263, %dma_wait3A_264] : memref<8x128xi32, #tpu.memory_space<vmem>> -> memref<4x128xi32, #tpu.memory_space<vmem>>
        %dma_wait3A_266 = arith.constant 0 : i32
        %dma_wait3A_267 = tpu.memref_slice %arg4[%add3A_103, %dma_wait3A_266] : memref<2560x128xi32, #tpu.memory_space<hbm>> -> memref<4x128xi32, #tpu.memory_space<hbm>>
        %dma_wait3A_268 = arith.constant 4 : i32
        %dma_wait3A_269 = arith.constant 0 : i32
        %dma_wait3A_270 = tpu.memref_slice %arg8[%dma_wait3A_268, %dma_wait3A_269] : memref<8x128xi32, #tpu.memory_space<vmem>> -> memref<4x128xi32, #tpu.memory_space<vmem>>
        %dma_wait3A_271 = arith.constant 0 : i32
        %dma_wait3A_272 = tpu.memref_slice %arg4[%add3A_103, %dma_wait3A_271] : memref<2560x128xi32, #tpu.memory_space<hbm>> -> memref<4x128xi32, #tpu.memory_space<hbm>>
        tpu.wait_dma2 semaphore(%run_scoped3A : memref<!tpu.dma_semaphore, #tpu.memory_space<semaphore_mem>>) src(%dma_wait3A_272 : memref<4x128xi32, #tpu.memory_space<hbm>>) dst(%dma_wait3A_270 : memref<4x128xi32, #tpu.memory_space<vmem>>)
        tpu.yield
      }) : () -> ()
      %dma_start3A_104 = arith.constant 4 : i32
      %dma_start3A_105 = arith.constant 512 : i32
      %dma_start3A_106 = arith.constant 0 : i32
      %dma_start3A_107 = tpu.memref_slice %arg9[%dma_start3A_105, %dma_start3A_106] : memref<1024x64xf32, #tpu.memory_space<vmem>> -> memref<128x64xf32, #tpu.memory_space<vmem>>
      %dma_start3A_108 = arith.constant 0 : i32
      %dma_start3A_109 = tpu.memref_slice %arg7[%dma_start3A_104, %dma_start3A_108] : memref<8x128xi32, #tpu.memory_space<vmem>> -> memref<1x128xi32, #tpu.memory_space<vmem>>
      %dma_start3A_110 = tpu.memref_squeeze %dma_start3A_109 : memref<1x128xi32, #tpu.memory_space<vmem>> -> memref<128xi32, #tpu.memory_space<vmem>>
      %dma_start3A_111 = arith.constant 0 : i32
      %dma_start3A_112 = arith.constant 0 : i32
      %dma_start3A_113 = tpu.memref_slice %arg2[%dma_start3A_111, %dma_start3A_112] : memref<10240x64xf32, #tpu.memory_space<hbm>> -> memref<10240x64xf32, #tpu.memory_space<hbm>>
      tpu.enqueue_indirect_dma source(%dma_start3A_113 : memref<10240x64xf32, #tpu.memory_space<hbm>>) target(%dma_start3A_107 : memref<128x64xf32, #tpu.memory_space<vmem>>) offsets(%dma_start3A_110 : memref<128xi32, #tpu.memory_space<vmem>>) semaphore(%arg12 : memref<!tpu.dma_semaphore, #tpu.memory_space<semaphore_mem>>)
      %dma_start3A_114 = arith.constant 5 : i32
      %dma_start3A_115 = arith.constant 640 : i32
      %dma_start3A_116 = arith.constant 0 : i32
      %dma_start3A_117 = tpu.memref_slice %arg9[%dma_start3A_115, %dma_start3A_116] : memref<1024x64xf32, #tpu.memory_space<vmem>> -> memref<128x64xf32, #tpu.memory_space<vmem>>
      %dma_start3A_118 = arith.constant 0 : i32
      %dma_start3A_119 = tpu.memref_slice %arg7[%dma_start3A_114, %dma_start3A_118] : memref<8x128xi32, #tpu.memory_space<vmem>> -> memref<1x128xi32, #tpu.memory_space<vmem>>
      %dma_start3A_120 = tpu.memref_squeeze %dma_start3A_119 : memref<1x128xi32, #tpu.memory_space<vmem>> -> memref<128xi32, #tpu.memory_space<vmem>>
      %dma_start3A_121 = arith.constant 0 : i32
      %dma_start3A_122 = arith.constant 0 : i32
      %dma_start3A_123 = tpu.memref_slice %arg2[%dma_start3A_121, %dma_start3A_122] : memref<10240x64xf32, #tpu.memory_space<hbm>> -> memref<10240x64xf32, #tpu.memory_space<hbm>>
      tpu.enqueue_indirect_dma source(%dma_start3A_123 : memref<10240x64xf32, #tpu.memory_space<hbm>>) target(%dma_start3A_117 : memref<128x64xf32, #tpu.memory_space<vmem>>) offsets(%dma_start3A_120 : memref<128xi32, #tpu.memory_space<vmem>>) semaphore(%arg12 : memref<!tpu.dma_semaphore, #tpu.memory_space<semaphore_mem>>)
      %dma_start3A_124 = arith.constant 6 : i32
      %dma_start3A_125 = arith.constant 768 : i32
      %dma_start3A_126 = arith.constant 0 : i32
      %dma_start3A_127 = tpu.memref_slice %arg9[%dma_start3A_125, %dma_start3A_126] : memref<1024x64xf32, #tpu.memory_space<vmem>> -> memref<128x64xf32, #tpu.memory_space<vmem>>
      %dma_start3A_128 = arith.constant 0 : i32
      %dma_start3A_129 = tpu.memref_slice %arg7[%dma_start3A_124, %dma_start3A_128] : memref<8x128xi32, #tpu.memory_space<vmem>> -> memref<1x128xi32, #tpu.memory_space<vmem>>
      %dma_start3A_130 = tpu.memref_squeeze %dma_start3A_129 : memref<1x128xi32, #tpu.memory_space<vmem>> -> memref<128xi32, #tpu.memory_space<vmem>>
      %dma_start3A_131 = arith.constant 0 : i32
      %dma_start3A_132 = arith.constant 0 : i32
      %dma_start3A_133 = tpu.memref_slice %arg2[%dma_start3A_131, %dma_start3A_132] : memref<10240x64xf32, #tpu.memory_space<hbm>> -> memref<10240x64xf32, #tpu.memory_space<hbm>>
      tpu.enqueue_indirect_dma source(%dma_start3A_133 : memref<10240x64xf32, #tpu.memory_space<hbm>>) target(%dma_start3A_127 : memref<128x64xf32, #tpu.memory_space<vmem>>) offsets(%dma_start3A_130 : memref<128xi32, #tpu.memory_space<vmem>>) semaphore(%arg12 : memref<!tpu.dma_semaphore, #tpu.memory_space<semaphore_mem>>)
      %dma_start3A_134 = arith.constant 7 : i32
      %dma_start3A_135 = arith.constant 896 : i32
      %dma_start3A_136 = arith.constant 0 : i32
      %dma_start3A_137 = tpu.memref_slice %arg9[%dma_start3A_135, %dma_start3A_136] : memref<1024x64xf32, #tpu.memory_space<vmem>> -> memref<128x64xf32, #tpu.memory_space<vmem>>
      %dma_start3A_138 = arith.constant 0 : i32
      %dma_start3A_139 = tpu.memref_slice %arg7[%dma_start3A_134, %dma_start3A_138] : memref<8x128xi32, #tpu.memory_space<vmem>> -> memref<1x128xi32, #tpu.memory_space<vmem>>
      %dma_start3A_140 = tpu.memref_squeeze %dma_start3A_139 : memref<1x128xi32, #tpu.memory_space<vmem>> -> memref<128xi32, #tpu.memory_space<vmem>>
      %dma_start3A_141 = arith.constant 0 : i32
      %dma_start3A_142 = arith.constant 0 : i32
      %dma_start3A_143 = tpu.memref_slice %arg2[%dma_start3A_141, %dma_start3A_142] : memref<10240x64xf32, #tpu.memory_space<hbm>> -> memref<10240x64xf32, #tpu.memory_space<hbm>>
      tpu.enqueue_indirect_dma source(%dma_start3A_143 : memref<10240x64xf32, #tpu.memory_space<hbm>>) target(%dma_start3A_137 : memref<128x64xf32, #tpu.memory_space<vmem>>) offsets(%dma_start3A_140 : memref<128xi32, #tpu.memory_space<vmem>>) semaphore(%arg12 : memref<!tpu.dma_semaphore, #tpu.memory_space<semaphore_mem>>)
      %dma_wait3A_144 = arith.constant 0 : i32
      %dma_wait3A_145 = arith.constant 0 : i32
      %dma_wait3A_146 = tpu.memref_slice %arg9[%dma_wait3A_144, %dma_wait3A_145] : memref<1024x64xf32, #tpu.memory_space<vmem>> -> memref<512x64xf32, #tpu.memory_space<vmem>>
      %dma_wait3A_147 = arith.constant 0 : i32
      %dma_wait3A_148 = arith.constant 0 : i32
      %dma_wait3A_149 = tpu.memref_slice %arg2[%dma_wait3A_147, %dma_wait3A_148] : memref<10240x64xf32, #tpu.memory_space<hbm>> -> memref<512x64xf32, #tpu.memory_space<hbm>>
      %dma_wait3A_150 = arith.constant 0 : i32
      %dma_wait3A_151 = arith.constant 0 : i32
      %dma_wait3A_152 = tpu.memref_slice %arg9[%dma_wait3A_150, %dma_wait3A_151] : memref<1024x64xf32, #tpu.memory_space<vmem>> -> memref<512x64xf32, #tpu.memory_space<vmem>>
      %dma_wait3A_153 = arith.constant 0 : i32
      %dma_wait3A_154 = arith.constant 0 : i32
      %dma_wait3A_155 = tpu.memref_slice %arg2[%dma_wait3A_153, %dma_wait3A_154] : memref<10240x64xf32, #tpu.memory_space<hbm>> -> memref<512x64xf32, #tpu.memory_space<hbm>>
      tpu.wait_dma2 semaphore(%arg11 : memref<!tpu.dma_semaphore, #tpu.memory_space<semaphore_mem>>) src(%dma_wait3A_155 : memref<512x64xf32, #tpu.memory_space<hbm>>) dst(%dma_wait3A_152 : memref<512x64xf32, #tpu.memory_space<vmem>>)
      %dma_start3A_156 = arith.constant 0 : i32
      %dma_start3A_157 = arith.constant 0 : i32
      %dma_start3A_158 = arith.constant 0 : i32
      %dma_start3A_159 = tpu.memref_slice %arg9[%dma_start3A_157, %dma_start3A_158] : memref<1024x64xf32, #tpu.memory_space<vmem>> -> memref<128x64xf32, #tpu.memory_space<vmem>>
      %dma_start3A_160 = arith.constant 0 : i32
      %dma_start3A_161 = tpu.memref_slice %arg8[%dma_start3A_156, %dma_start3A_160] : memref<8x128xi32, #tpu.memory_space<vmem>> -> memref<1x128xi32, #tpu.memory_space<vmem>>
      %dma_start3A_162 = tpu.memref_squeeze %dma_start3A_161 : memref<1x128xi32, #tpu.memory_space<vmem>> -> memref<128xi32, #tpu.memory_space<vmem>>
      %dma_start3A_163 = arith.constant 0 : i32
      %dma_start3A_164 = arith.constant 0 : i32
      %dma_start3A_165 = tpu.memref_slice %arg10[%dma_start3A_163, %dma_start3A_164] : memref<10240x64xf32, #tpu.memory_space<vmem_shared>> -> memref<10240x64xf32, #tpu.memory_space<vmem_shared>>
      tpu.enqueue_indirect_dma source(%dma_start3A_159 : memref<128x64xf32, #tpu.memory_space<vmem>>) target(%dma_start3A_165 : memref<10240x64xf32, #tpu.memory_space<vmem_shared>>) offsets(%dma_start3A_162 : memref<128xi32, #tpu.memory_space<vmem>>) semaphore(%arg13 : memref<!tpu.dma_semaphore, #tpu.memory_space<semaphore_mem>>) {add = true}
      %dma_start3A_166 = arith.constant 1 : i32
      %dma_start3A_167 = arith.constant 128 : i32
      %dma_start3A_168 = arith.constant 0 : i32
      %dma_start3A_169 = tpu.memref_slice %arg9[%dma_start3A_167, %dma_start3A_168] : memref<1024x64xf32, #tpu.memory_space<vmem>> -> memref<128x64xf32, #tpu.memory_space<vmem>>
      %dma_start3A_170 = arith.constant 0 : i32
      %dma_start3A_171 = tpu.memref_slice %arg8[%dma_start3A_166, %dma_start3A_170] : memref<8x128xi32, #tpu.memory_space<vmem>> -> memref<1x128xi32, #tpu.memory_space<vmem>>
      %dma_start3A_172 = tpu.memref_squeeze %dma_start3A_171 : memref<1x128xi32, #tpu.memory_space<vmem>> -> memref<128xi32, #tpu.memory_space<vmem>>
      %dma_start3A_173 = arith.constant 0 : i32
      %dma_start3A_174 = arith.constant 0 : i32
      %dma_start3A_175 = tpu.memref_slice %arg10[%dma_start3A_173, %dma_start3A_174] : memref<10240x64xf32, #tpu.memory_space<vmem_shared>> -> memref<10240x64xf32, #tpu.memory_space<vmem_shared>>
      tpu.enqueue_indirect_dma source(%dma_start3A_169 : memref<128x64xf32, #tpu.memory_space<vmem>>) target(%dma_start3A_175 : memref<10240x64xf32, #tpu.memory_space<vmem_shared>>) offsets(%dma_start3A_172 : memref<128xi32, #tpu.memory_space<vmem>>) semaphore(%arg13 : memref<!tpu.dma_semaphore, #tpu.memory_space<semaphore_mem>>) {add = true}
      %dma_start3A_176 = arith.constant 2 : i32
      %dma_start3A_177 = arith.constant 256 : i32
      %dma_start3A_178 = arith.constant 0 : i32
      %dma_start3A_179 = tpu.memref_slice %arg9[%dma_start3A_177, %dma_start3A_178] : memref<1024x64xf32, #tpu.memory_space<vmem>> -> memref<128x64xf32, #tpu.memory_space<vmem>>
      %dma_start3A_180 = arith.constant 0 : i32
      %dma_start3A_181 = tpu.memref_slice %arg8[%dma_start3A_176, %dma_start3A_180] : memref<8x128xi32, #tpu.memory_space<vmem>> -> memref<1x128xi32, #tpu.memory_space<vmem>>
      %dma_start3A_182 = tpu.memref_squeeze %dma_start3A_181 : memref<1x128xi32, #tpu.memory_space<vmem>> -> memref<128xi32, #tpu.memory_space<vmem>>
      %dma_start3A_183 = arith.constant 0 : i32
      %dma_start3A_184 = arith.constant 0 : i32
      %dma_start3A_185 = tpu.memref_slice %arg10[%dma_start3A_183, %dma_start3A_184] : memref<10240x64xf32, #tpu.memory_space<vmem_shared>> -> memref<10240x64xf32, #tpu.memory_space<vmem_shared>>
      tpu.enqueue_indirect_dma source(%dma_start3A_179 : memref<128x64xf32, #tpu.memory_space<vmem>>) target(%dma_start3A_185 : memref<10240x64xf32, #tpu.memory_space<vmem_shared>>) offsets(%dma_start3A_182 : memref<128xi32, #tpu.memory_space<vmem>>) semaphore(%arg13 : memref<!tpu.dma_semaphore, #tpu.memory_space<semaphore_mem>>) {add = true}
      %dma_start3A_186 = arith.constant 3 : i32
      %dma_start3A_187 = arith.constant 384 : i32
      %dma_start3A_188 = arith.constant 0 : i32
      %dma_start3A_189 = tpu.memref_slice %arg9[%dma_start3A_187, %dma_start3A_188] : memref<1024x64xf32, #tpu.memory_space<vmem>> -> memref<128x64xf32, #tpu.memory_space<vmem>>
      %dma_start3A_190 = arith.constant 0 : i32
      %dma_start3A_191 = tpu.memref_slice %arg8[%dma_start3A_186, %dma_start3A_190] : memref<8x128xi32, #tpu.memory_space<vmem>> -> memref<1x128xi32, #tpu.memory_space<vmem>>
      %dma_start3A_192 = tpu.memref_squeeze %dma_start3A_191 : memref<1x128xi32, #tpu.memory_space<vmem>> -> memref<128xi32, #tpu.memory_space<vmem>>
      %dma_start3A_193 = arith.constant 0 : i32
      %dma_start3A_194 = arith.constant 0 : i32
      %dma_start3A_195 = tpu.memref_slice %arg10[%dma_start3A_193, %dma_start3A_194] : memref<10240x64xf32, #tpu.memory_space<vmem_shared>> -> memref<10240x64xf32, #tpu.memory_space<vmem_shared>>
      tpu.enqueue_indirect_dma source(%dma_start3A_189 : memref<128x64xf32, #tpu.memory_space<vmem>>) target(%dma_start3A_195 : memref<10240x64xf32, #tpu.memory_space<vmem_shared>>) offsets(%dma_start3A_192 : memref<128xi32, #tpu.memory_space<vmem>>) semaphore(%arg13 : memref<!tpu.dma_semaphore, #tpu.memory_space<semaphore_mem>>) {add = true}
      %add3A_196 = arith.constant 1 : i32
      %add3A_197 = arith.addi %while3A_94, %add3A_196 : i32
      %lt3A = arith.cmpi slt, %add3A_197, %select_n3A_8 : i32
      %convert_element_type3A_198 = arith.extui %lt3A : i1 to i32
      %cond3A_199 = arith.constant 0 : i32
      %cond3A_200 = arith.cmpi ne, %convert_element_type3A_198, %cond3A_199 : i32
      scf.if %cond3A_200 {
        %dma_wait3A_253 = arith.constant 0 : i32
        %dma_wait3A_254 = arith.constant 0 : i32
        %dma_wait3A_255 = tpu.memref_slice %arg9[%dma_wait3A_253, %dma_wait3A_254] : memref<1024x64xf32, #tpu.memory_space<vmem>> -> memref<512x64xf32, #tpu.memory_space<vmem>>
        %dma_wait3A_256 = arith.constant 0 : i32
        %dma_wait3A_257 = arith.constant 0 : i32
        %dma_wait3A_258 = tpu.memref_slice %arg2[%dma_wait3A_256, %dma_wait3A_257] : memref<10240x64xf32, #tpu.memory_space<hbm>> -> memref<512x64xf32, #tpu.memory_space<hbm>>
        %dma_wait3A_259 = arith.constant 0 : i32
        %dma_wait3A_260 = arith.constant 0 : i32
        %dma_wait3A_261 = tpu.memref_slice %arg9[%dma_wait3A_259, %dma_wait3A_260] : memref<1024x64xf32, #tpu.memory_space<vmem>> -> memref<512x64xf32, #tpu.memory_space<vmem>>
        %dma_wait3A_262 = arith.constant 0 : i32
        %dma_wait3A_263 = arith.constant 0 : i32
        %dma_wait3A_264 = tpu.memref_slice %arg2[%dma_wait3A_262, %dma_wait3A_263] : memref<10240x64xf32, #tpu.memory_space<hbm>> -> memref<512x64xf32, #tpu.memory_space<hbm>>
        tpu.wait_dma2 semaphore(%arg13 : memref<!tpu.dma_semaphore, #tpu.memory_space<semaphore_mem>>) src(%dma_wait3A_264 : memref<512x64xf32, #tpu.memory_space<hbm>>) dst(%dma_wait3A_261 : memref<512x64xf32, #tpu.memory_space<vmem>>)
        %mul3A_265 = arith.constant 2 : i32
        %mul3A_266 = arith.muli %mul3A_265, %while3A_94 : i32
        %add3A_267 = arith.constant 2 : i32
        %add3A_268 = arith.addi %mul3A_266, %add3A_267 : i32
        %mul3A_269 = arith.constant 4 : i32
        %mul3A_270 = arith.muli %add3A_268, %mul3A_269 : i32
        %add3A_271 = arith.addi %select_n3A, %mul3A_270 : i32
        "tpu.region"() ({
          %run_scoped3A = tpu.sem_alloc : memref<!tpu.dma_semaphore, #tpu.memory_space<semaphore_mem>>
          %dma_start3A_312 = arith.constant 0 : i32
          %dma_start3A_313 = arith.constant 0 : i32
          %dma_start3A_314 = tpu.memref_slice %arg7[%dma_start3A_312, %dma_start3A_313] : memref<8x128xi32, #tpu.memory_space<vmem>> -> memref<4x128xi32, #tpu.memory_space<vmem>>
          %dma_start3A_315 = arith.constant 0 : i32
          %dma_start3A_316 = tpu.memref_slice %arg3[%add3A_271, %dma_start3A_315] : memref<2560x128xi32, #tpu.memory_space<hbm>> -> memref<4x128xi32, #tpu.memory_space<hbm>>
          %dma_start3A_317 = arith.constant 0 : i32
          %dma_start3A_318 = arith.constant 0 : i32
          %dma_start3A_319 = tpu.memref_slice %arg7[%dma_start3A_317, %dma_start3A_318] : memref<8x128xi32, #tpu.memory_space<vmem>> -> memref<4x128xi32, #tpu.memory_space<vmem>>
          %dma_start3A_320 = arith.constant 0 : i32
          %dma_start3A_321 = tpu.memref_slice %arg3[%add3A_271, %dma_start3A_320] : memref<2560x128xi32, #tpu.memory_space<hbm>> -> memref<4x128xi32, #tpu.memory_space<hbm>>
          tpu.enqueue_dma source(%dma_start3A_321 : memref<4x128xi32, #tpu.memory_space<hbm>>) target(%dma_start3A_319 : memref<4x128xi32, #tpu.memory_space<vmem>>) target_semaphore(%run_scoped3A : memref<!tpu.dma_semaphore, #tpu.memory_space<semaphore_mem>>)
          %dma_wait3A_322 = arith.constant 0 : i32
          %dma_wait3A_323 = arith.constant 0 : i32
          %dma_wait3A_324 = tpu.memref_slice %arg7[%dma_wait3A_322, %dma_wait3A_323] : memref<8x128xi32, #tpu.memory_space<vmem>> -> memref<4x128xi32, #tpu.memory_space<vmem>>
          %dma_wait3A_325 = arith.constant 0 : i32
          %dma_wait3A_326 = tpu.memref_slice %arg3[%add3A_271, %dma_wait3A_325] : memref<2560x128xi32, #tpu.memory_space<hbm>> -> memref<4x128xi32, #tpu.memory_space<hbm>>
          %dma_wait3A_327 = arith.constant 0 : i32
          %dma_wait3A_328 = arith.constant 0 : i32
          %dma_wait3A_329 = tpu.memref_slice %arg7[%dma_wait3A_327, %dma_wait3A_328] : memref<8x128xi32, #tpu.memory_space<vmem>> -> memref<4x128xi32, #tpu.memory_space<vmem>>
          %dma_wait3A_330 = arith.constant 0 : i32
          %dma_wait3A_331 = tpu.memref_slice %arg3[%add3A_271, %dma_wait3A_330] : memref<2560x128xi32, #tpu.memory_space<hbm>> -> memref<4x128xi32, #tpu.memory_space<hbm>>
          tpu.wait_dma2 semaphore(%run_scoped3A : memref<!tpu.dma_semaphore, #tpu.memory_space<semaphore_mem>>) src(%dma_wait3A_331 : memref<4x128xi32, #tpu.memory_space<hbm>>) dst(%dma_wait3A_329 : memref<4x128xi32, #tpu.memory_space<vmem>>)
          tpu.yield
        }) : () -> ()
        "tpu.region"() ({
          %run_scoped3A = tpu.sem_alloc : memref<!tpu.dma_semaphore, #tpu.memory_space<semaphore_mem>>
          %dma_start3A_312 = arith.constant 0 : i32
          %dma_start3A_313 = arith.constant 0 : i32
          %dma_start3A_314 = tpu.memref_slice %arg8[%dma_start3A_312, %dma_start3A_313] : memref<8x128xi32, #tpu.memory_space<vmem>> -> memref<4x128xi32, #tpu.memory_space<vmem>>
          %dma_start3A_315 = arith.constant 0 : i32
          %dma_start3A_316 = tpu.memref_slice %arg4[%add3A_271, %dma_start3A_315] : memref<2560x128xi32, #tpu.memory_space<hbm>> -> memref<4x128xi32, #tpu.memory_space<hbm>>
          %dma_start3A_317 = arith.constant 0 : i32
          %dma_start3A_318 = arith.constant 0 : i32
          %dma_start3A_319 = tpu.memref_slice %arg8[%dma_start3A_317, %dma_start3A_318] : memref<8x128xi32, #tpu.memory_space<vmem>> -> memref<4x128xi32, #tpu.memory_space<vmem>>
          %dma_start3A_320 = arith.constant 0 : i32
          %dma_start3A_321 = tpu.memref_slice %arg4[%add3A_271, %dma_start3A_320] : memref<2560x128xi32, #tpu.memory_space<hbm>> -> memref<4x128xi32, #tpu.memory_space<hbm>>
          tpu.enqueue_dma source(%dma_start3A_321 : memref<4x128xi32, #tpu.memory_space<hbm>>) target(%dma_start3A_319 : memref<4x128xi32, #tpu.memory_space<vmem>>) target_semaphore(%run_scoped3A : memref<!tpu.dma_semaphore, #tpu.memory_space<semaphore_mem>>)
          %dma_wait3A_322 = arith.constant 0 : i32
          %dma_wait3A_323 = arith.constant 0 : i32
          %dma_wait3A_324 = tpu.memref_slice %arg8[%dma_wait3A_322, %dma_wait3A_323] : memref<8x128xi32, #tpu.memory_space<vmem>> -> memref<4x128xi32, #tpu.memory_space<vmem>>
          %dma_wait3A_325 = arith.constant 0 : i32
          %dma_wait3A_326 = tpu.memref_slice %arg4[%add3A_271, %dma_wait3A_325] : memref<2560x128xi32, #tpu.memory_space<hbm>> -> memref<4x128xi32, #tpu.memory_space<hbm>>
          %dma_wait3A_327 = arith.constant 0 : i32
          %dma_wait3A_328 = arith.constant 0 : i32
          %dma_wait3A_329 = tpu.memref_slice %arg8[%dma_wait3A_327, %dma_wait3A_328] : memref<8x128xi32, #tpu.memory_space<vmem>> -> memref<4x128xi32, #tpu.memory_space<vmem>>
          %dma_wait3A_330 = arith.constant 0 : i32
          %dma_wait3A_331 = tpu.memref_slice %arg4[%add3A_271, %dma_wait3A_330] : memref<2560x128xi32, #tpu.memory_space<hbm>> -> memref<4x128xi32, #tpu.memory_space<hbm>>
          tpu.wait_dma2 semaphore(%run_scoped3A : memref<!tpu.dma_semaphore, #tpu.memory_space<semaphore_mem>>) src(%dma_wait3A_331 : memref<4x128xi32, #tpu.memory_space<hbm>>) dst(%dma_wait3A_329 : memref<4x128xi32, #tpu.memory_space<vmem>>)
          tpu.yield
        }) : () -> ()
        %dma_start3A_272 = arith.constant 0 : i32
        %dma_start3A_273 = arith.constant 0 : i32
        %dma_start3A_274 = arith.constant 0 : i32
        %dma_start3A_275 = tpu.memref_slice %arg9[%dma_start3A_273, %dma_start3A_274] : memref<1024x64xf32, #tpu.memory_space<vmem>> -> memref<128x64xf32, #tpu.memory_space<vmem>>
        %dma_start3A_276 = arith.constant 0 : i32
        %dma_start3A_277 = tpu.memref_slice %arg7[%dma_start3A_272, %dma_start3A_276] : memref<8x128xi32, #tpu.memory_space<vmem>> -> memref<1x128xi32, #tpu.memory_space<vmem>>
        %dma_start3A_278 = tpu.memref_squeeze %dma_start3A_277 : memref<1x128xi32, #tpu.memory_space<vmem>> -> memref<128xi32, #tpu.memory_space<vmem>>
        %dma_start3A_279 = arith.constant 0 : i32
        %dma_start3A_280 = arith.constant 0 : i32
        %dma_start3A_281 = tpu.memref_slice %arg2[%dma_start3A_279, %dma_start3A_280] : memref<10240x64xf32, #tpu.memory_space<hbm>> -> memref<10240x64xf32, #tpu.memory_space<hbm>>
        tpu.enqueue_indirect_dma source(%dma_start3A_281 : memref<10240x64xf32, #tpu.memory_space<hbm>>) target(%dma_start3A_275 : memref<128x64xf32, #tpu.memory_space<vmem>>) offsets(%dma_start3A_278 : memref<128xi32, #tpu.memory_space<vmem>>) semaphore(%arg11 : memref<!tpu.dma_semaphore, #tpu.memory_space<semaphore_mem>>)
        %dma_start3A_282 = arith.constant 1 : i32
        %dma_start3A_283 = arith.constant 128 : i32
        %dma_start3A_284 = arith.constant 0 : i32
        %dma_start3A_285 = tpu.memref_slice %arg9[%dma_start3A_283, %dma_start3A_284] : memref<1024x64xf32, #tpu.memory_space<vmem>> -> memref<128x64xf32, #tpu.memory_space<vmem>>
        %dma_start3A_286 = arith.constant 0 : i32
        %dma_start3A_287 = tpu.memref_slice %arg7[%dma_start3A_282, %dma_start3A_286] : memref<8x128xi32, #tpu.memory_space<vmem>> -> memref<1x128xi32, #tpu.memory_space<vmem>>
        %dma_start3A_288 = tpu.memref_squeeze %dma_start3A_287 : memref<1x128xi32, #tpu.memory_space<vmem>> -> memref<128xi32, #tpu.memory_space<vmem>>
        %dma_start3A_289 = arith.constant 0 : i32
        %dma_start3A_290 = arith.constant 0 : i32
        %dma_start3A_291 = tpu.memref_slice %arg2[%dma_start3A_289, %dma_start3A_290] : memref<10240x64xf32, #tpu.memory_space<hbm>> -> memref<10240x64xf32, #tpu.memory_space<hbm>>
        tpu.enqueue_indirect_dma source(%dma_start3A_291 : memref<10240x64xf32, #tpu.memory_space<hbm>>) target(%dma_start3A_285 : memref<128x64xf32, #tpu.memory_space<vmem>>) offsets(%dma_start3A_288 : memref<128xi32, #tpu.memory_space<vmem>>) semaphore(%arg11 : memref<!tpu.dma_semaphore, #tpu.memory_space<semaphore_mem>>)
        %dma_start3A_292 = arith.constant 2 : i32
        %dma_start3A_293 = arith.constant 256 : i32
        %dma_start3A_294 = arith.constant 0 : i32
        %dma_start3A_295 = tpu.memref_slice %arg9[%dma_start3A_293, %dma_start3A_294] : memref<1024x64xf32, #tpu.memory_space<vmem>> -> memref<128x64xf32, #tpu.memory_space<vmem>>
        %dma_start3A_296 = arith.constant 0 : i32
        %dma_start3A_297 = tpu.memref_slice %arg7[%dma_start3A_292, %dma_start3A_296] : memref<8x128xi32, #tpu.memory_space<vmem>> -> memref<1x128xi32, #tpu.memory_space<vmem>>
        %dma_start3A_298 = tpu.memref_squeeze %dma_start3A_297 : memref<1x128xi32, #tpu.memory_space<vmem>> -> memref<128xi32, #tpu.memory_space<vmem>>
        %dma_start3A_299 = arith.constant 0 : i32
        %dma_start3A_300 = arith.constant 0 : i32
        %dma_start3A_301 = tpu.memref_slice %arg2[%dma_start3A_299, %dma_start3A_300] : memref<10240x64xf32, #tpu.memory_space<hbm>> -> memref<10240x64xf32, #tpu.memory_space<hbm>>
        tpu.enqueue_indirect_dma source(%dma_start3A_301 : memref<10240x64xf32, #tpu.memory_space<hbm>>) target(%dma_start3A_295 : memref<128x64xf32, #tpu.memory_space<vmem>>) offsets(%dma_start3A_298 : memref<128xi32, #tpu.memory_space<vmem>>) semaphore(%arg11 : memref<!tpu.dma_semaphore, #tpu.memory_space<semaphore_mem>>)
        %dma_start3A_302 = arith.constant 3 : i32
        %dma_start3A_303 = arith.constant 384 : i32
        %dma_start3A_304 = arith.constant 0 : i32
        %dma_start3A_305 = tpu.memref_slice %arg9[%dma_start3A_303, %dma_start3A_304] : memref<1024x64xf32, #tpu.memory_space<vmem>> -> memref<128x64xf32, #tpu.memory_space<vmem>>
        %dma_start3A_306 = arith.constant 0 : i32
        %dma_start3A_307 = tpu.memref_slice %arg7[%dma_start3A_302, %dma_start3A_306] : memref<8x128xi32, #tpu.memory_space<vmem>> -> memref<1x128xi32, #tpu.memory_space<vmem>>
        %dma_start3A_308 = tpu.memref_squeeze %dma_start3A_307 : memref<1x128xi32, #tpu.memory_space<vmem>> -> memref<128xi32, #tpu.memory_space<vmem>>
        %dma_start3A_309 = arith.constant 0 : i32
        %dma_start3A_310 = arith.constant 0 : i32
        %dma_start3A_311 = tpu.memref_slice %arg2[%dma_start3A_309, %dma_start3A_310] : memref<10240x64xf32, #tpu.memory_space<hbm>> -> memref<10240x64xf32, #tpu.memory_space<hbm>>
        tpu.enqueue_indirect_dma source(%dma_start3A_311 : memref<10240x64xf32, #tpu.memory_space<hbm>>) target(%dma_start3A_305 : memref<128x64xf32, #tpu.memory_space<vmem>>) offsets(%dma_start3A_308 : memref<128xi32, #tpu.memory_space<vmem>>) semaphore(%arg11 : memref<!tpu.dma_semaphore, #tpu.memory_space<semaphore_mem>>)
      } else {
      }
      %dma_wait3A_201 = arith.constant 512 : i32
      %dma_wait3A_202 = arith.constant 0 : i32
      %dma_wait3A_203 = tpu.memref_slice %arg9[%dma_wait3A_201, %dma_wait3A_202] : memref<1024x64xf32, #tpu.memory_space<vmem>> -> memref<512x64xf32, #tpu.memory_space<vmem>>
      %dma_wait3A_204 = arith.constant 0 : i32
      %dma_wait3A_205 = arith.constant 0 : i32
      %dma_wait3A_206 = tpu.memref_slice %arg2[%dma_wait3A_204, %dma_wait3A_205] : memref<10240x64xf32, #tpu.memory_space<hbm>> -> memref<512x64xf32, #tpu.memory_space<hbm>>
      %dma_wait3A_207 = arith.constant 512 : i32
      %dma_wait3A_208 = arith.constant 0 : i32
      %dma_wait3A_209 = tpu.memref_slice %arg9[%dma_wait3A_207, %dma_wait3A_208] : memref<1024x64xf32, #tpu.memory_space<vmem>> -> memref<512x64xf32, #tpu.memory_space<vmem>>
      %dma_wait3A_210 = arith.constant 0 : i32
      %dma_wait3A_211 = arith.constant 0 : i32
      %dma_wait3A_212 = tpu.memref_slice %arg2[%dma_wait3A_210, %dma_wait3A_211] : memref<10240x64xf32, #tpu.memory_space<hbm>> -> memref<512x64xf32, #tpu.memory_space<hbm>>
      tpu.wait_dma2 semaphore(%arg12 : memref<!tpu.dma_semaphore, #tpu.memory_space<semaphore_mem>>) src(%dma_wait3A_212 : memref<512x64xf32, #tpu.memory_space<hbm>>) dst(%dma_wait3A_209 : memref<512x64xf32, #tpu.memory_space<vmem>>)
      %dma_start3A_213 = arith.constant 4 : i32
      %dma_start3A_214 = arith.constant 512 : i32
      %dma_start3A_215 = arith.constant 0 : i32
      %dma_start3A_216 = tpu.memref_slice %arg9[%dma_start3A_214, %dma_start3A_215] : memref<1024x64xf32, #tpu.memory_space<vmem>> -> memref<128x64xf32, #tpu.memory_space<vmem>>
      %dma_start3A_217 = arith.constant 0 : i32
      %dma_start3A_218 = tpu.memref_slice %arg8[%dma_start3A_213, %dma_start3A_217] : memref<8x128xi32, #tpu.memory_space<vmem>> -> memref<1x128xi32, #tpu.memory_space<vmem>>
      %dma_start3A_219 = tpu.memref_squeeze %dma_start3A_218 : memref<1x128xi32, #tpu.memory_space<vmem>> -> memref<128xi32, #tpu.memory_space<vmem>>
      %dma_start3A_220 = arith.constant 0 : i32
      %dma_start3A_221 = arith.constant 0 : i32
      %dma_start3A_222 = tpu.memref_slice %arg10[%dma_start3A_220, %dma_start3A_221] : memref<10240x64xf32, #tpu.memory_space<vmem_shared>> -> memref<10240x64xf32, #tpu.memory_space<vmem_shared>>
      tpu.enqueue_indirect_dma source(%dma_start3A_216 : memref<128x64xf32, #tpu.memory_space<vmem>>) target(%dma_start3A_222 : memref<10240x64xf32, #tpu.memory_space<vmem_shared>>) offsets(%dma_start3A_219 : memref<128xi32, #tpu.memory_space<vmem>>) semaphore(%arg14 : memref<!tpu.dma_semaphore, #tpu.memory_space<semaphore_mem>>) {add = true}
      %dma_start3A_223 = arith.constant 5 : i32
      %dma_start3A_224 = arith.constant 640 : i32
      %dma_start3A_225 = arith.constant 0 : i32
      %dma_start3A_226 = tpu.memref_slice %arg9[%dma_start3A_224, %dma_start3A_225] : memref<1024x64xf32, #tpu.memory_space<vmem>> -> memref<128x64xf32, #tpu.memory_space<vmem>>
      %dma_start3A_227 = arith.constant 0 : i32
      %dma_start3A_228 = tpu.memref_slice %arg8[%dma_start3A_223, %dma_start3A_227] : memref<8x128xi32, #tpu.memory_space<vmem>> -> memref<1x128xi32, #tpu.memory_space<vmem>>
      %dma_start3A_229 = tpu.memref_squeeze %dma_start3A_228 : memref<1x128xi32, #tpu.memory_space<vmem>> -> memref<128xi32, #tpu.memory_space<vmem>>
      %dma_start3A_230 = arith.constant 0 : i32
      %dma_start3A_231 = arith.constant 0 : i32
      %dma_start3A_232 = tpu.memref_slice %arg10[%dma_start3A_230, %dma_start3A_231] : memref<10240x64xf32, #tpu.memory_space<vmem_shared>> -> memref<10240x64xf32, #tpu.memory_space<vmem_shared>>
      tpu.enqueue_indirect_dma source(%dma_start3A_226 : memref<128x64xf32, #tpu.memory_space<vmem>>) target(%dma_start3A_232 : memref<10240x64xf32, #tpu.memory_space<vmem_shared>>) offsets(%dma_start3A_229 : memref<128xi32, #tpu.memory_space<vmem>>) semaphore(%arg14 : memref<!tpu.dma_semaphore, #tpu.memory_space<semaphore_mem>>) {add = true}
      %dma_start3A_233 = arith.constant 6 : i32
      %dma_start3A_234 = arith.constant 768 : i32
      %dma_start3A_235 = arith.constant 0 : i32
      %dma_start3A_236 = tpu.memref_slice %arg9[%dma_start3A_234, %dma_start3A_235] : memref<1024x64xf32, #tpu.memory_space<vmem>> -> memref<128x64xf32, #tpu.memory_space<vmem>>
      %dma_start3A_237 = arith.constant 0 : i32
      %dma_start3A_238 = tpu.memref_slice %arg8[%dma_start3A_233, %dma_start3A_237] : memref<8x128xi32, #tpu.memory_space<vmem>> -> memref<1x128xi32, #tpu.memory_space<vmem>>
      %dma_start3A_239 = tpu.memref_squeeze %dma_start3A_238 : memref<1x128xi32, #tpu.memory_space<vmem>> -> memref<128xi32, #tpu.memory_space<vmem>>
      %dma_start3A_240 = arith.constant 0 : i32
      %dma_start3A_241 = arith.constant 0 : i32
      %dma_start3A_242 = tpu.memref_slice %arg10[%dma_start3A_240, %dma_start3A_241] : memref<10240x64xf32, #tpu.memory_space<vmem_shared>> -> memref<10240x64xf32, #tpu.memory_space<vmem_shared>>
      tpu.enqueue_indirect_dma source(%dma_start3A_236 : memref<128x64xf32, #tpu.memory_space<vmem>>) target(%dma_start3A_242 : memref<10240x64xf32, #tpu.memory_space<vmem_shared>>) offsets(%dma_start3A_239 : memref<128xi32, #tpu.memory_space<vmem>>) semaphore(%arg14 : memref<!tpu.dma_semaphore, #tpu.memory_space<semaphore_mem>>) {add = true}
      %dma_start3A_243 = arith.constant 7 : i32
      %dma_start3A_244 = arith.constant 896 : i32
      %dma_start3A_245 = arith.constant 0 : i32
      %dma_start3A_246 = tpu.memref_slice %arg9[%dma_start3A_244, %dma_start3A_245] : memref<1024x64xf32, #tpu.memory_space<vmem>> -> memref<128x64xf32, #tpu.memory_space<vmem>>
      %dma_start3A_247 = arith.constant 0 : i32
      %dma_start3A_248 = tpu.memref_slice %arg8[%dma_start3A_243, %dma_start3A_247] : memref<8x128xi32, #tpu.memory_space<vmem>> -> memref<1x128xi32, #tpu.memory_space<vmem>>
      %dma_start3A_249 = tpu.memref_squeeze %dma_start3A_248 : memref<1x128xi32, #tpu.memory_space<vmem>> -> memref<128xi32, #tpu.memory_space<vmem>>
      %dma_start3A_250 = arith.constant 0 : i32
      %dma_start3A_251 = arith.constant 0 : i32
      %dma_start3A_252 = tpu.memref_slice %arg10[%dma_start3A_250, %dma_start3A_251] : memref<10240x64xf32, #tpu.memory_space<vmem_shared>> -> memref<10240x64xf32, #tpu.memory_space<vmem_shared>>
      tpu.enqueue_indirect_dma source(%dma_start3A_246 : memref<128x64xf32, #tpu.memory_space<vmem>>) target(%dma_start3A_252 : memref<10240x64xf32, #tpu.memory_space<vmem_shared>>) offsets(%dma_start3A_249 : memref<128xi32, #tpu.memory_space<vmem>>) semaphore(%arg14 : memref<!tpu.dma_semaphore, #tpu.memory_space<semaphore_mem>>) {add = true}
    }
    %while3A_62 = arith.constant 1 : i32
    scf.for %while3A_94 = %while3A_60 to %while3A_56 step %while3A_62  : i32 {
      %ge3A = arith.constant 1 : i32
      %ge3A_95 = arith.cmpi sge, %while3A_94, %ge3A : i32
      %convert_element_type3A = arith.extui %ge3A_95 : i1 to i32
      %cond3A = arith.constant 0 : i32
      %cond3A_96 = arith.cmpi ne, %convert_element_type3A, %cond3A : i32
      scf.if %cond3A_96 {
        %dma_wait3A_253 = arith.constant 512 : i32
        %dma_wait3A_254 = arith.constant 0 : i32
        %dma_wait3A_255 = tpu.memref_slice %arg9[%dma_wait3A_253, %dma_wait3A_254] : memref<1024x64xf32, #tpu.memory_space<vmem>> -> memref<512x64xf32, #tpu.memory_space<vmem>>
        %dma_wait3A_256 = arith.constant 0 : i32
        %dma_wait3A_257 = arith.constant 0 : i32
        %dma_wait3A_258 = tpu.memref_slice %arg2[%dma_wait3A_256, %dma_wait3A_257] : memref<10240x64xf32, #tpu.memory_space<hbm>> -> memref<512x64xf32, #tpu.memory_space<hbm>>
        %dma_wait3A_259 = arith.constant 512 : i32
        %dma_wait3A_260 = arith.constant 0 : i32
        %dma_wait3A_261 = tpu.memref_slice %arg9[%dma_wait3A_259, %dma_wait3A_260] : memref<1024x64xf32, #tpu.memory_space<vmem>> -> memref<512x64xf32, #tpu.memory_space<vmem>>
        %dma_wait3A_262 = arith.constant 0 : i32
        %dma_wait3A_263 = arith.constant 0 : i32
        %dma_wait3A_264 = tpu.memref_slice %arg2[%dma_wait3A_262, %dma_wait3A_263] : memref<10240x64xf32, #tpu.memory_space<hbm>> -> memref<512x64xf32, #tpu.memory_space<hbm>>
        tpu.wait_dma2 semaphore(%arg14 : memref<!tpu.dma_semaphore, #tpu.memory_space<semaphore_mem>>) src(%dma_wait3A_264 : memref<512x64xf32, #tpu.memory_space<hbm>>) dst(%dma_wait3A_261 : memref<512x64xf32, #tpu.memory_space<vmem>>)
      } else {
      }
      %mul3A_97 = arith.constant 2 : i32
      %mul3A_98 = arith.muli %mul3A_97, %while3A_94 : i32
      %add3A_99 = arith.constant 1 : i32
      %add3A_100 = arith.addi %mul3A_98, %add3A_99 : i32
      %mul3A_101 = arith.constant 4 : i32
      %mul3A_102 = arith.muli %add3A_100, %mul3A_101 : i32
      %add3A_103 = arith.addi %select_n3A, %mul3A_102 : i32
      "tpu.region"() ({
        %run_scoped3A = tpu.sem_alloc : memref<!tpu.dma_semaphore, #tpu.memory_space<semaphore_mem>>
        %dma_start3A_253 = arith.constant 4 : i32
        %dma_start3A_254 = arith.constant 0 : i32
        %dma_start3A_255 = tpu.memref_slice %arg7[%dma_start3A_253, %dma_start3A_254] : memref<8x128xi32, #tpu.memory_space<vmem>> -> memref<4x128xi32, #tpu.memory_space<vmem>>
        %dma_start3A_256 = arith.constant 0 : i32
        %dma_start3A_257 = tpu.memref_slice %arg3[%add3A_103, %dma_start3A_256] : memref<2560x128xi32, #tpu.memory_space<hbm>> -> memref<4x128xi32, #tpu.memory_space<hbm>>
        %dma_start3A_258 = arith.constant 4 : i32
        %dma_start3A_259 = arith.constant 0 : i32
        %dma_start3A_260 = tpu.memref_slice %arg7[%dma_start3A_258, %dma_start3A_259] : memref<8x128xi32, #tpu.memory_space<vmem>> -> memref<4x128xi32, #tpu.memory_space<vmem>>
        %dma_start3A_261 = arith.constant 0 : i32
        %dma_start3A_262 = tpu.memref_slice %arg3[%add3A_103, %dma_start3A_261] : memref<2560x128xi32, #tpu.memory_space<hbm>> -> memref<4x128xi32, #tpu.memory_space<hbm>>
        tpu.enqueue_dma source(%dma_start3A_262 : memref<4x128xi32, #tpu.memory_space<hbm>>) target(%dma_start3A_260 : memref<4x128xi32, #tpu.memory_space<vmem>>) target_semaphore(%run_scoped3A : memref<!tpu.dma_semaphore, #tpu.memory_space<semaphore_mem>>)
        %dma_wait3A_263 = arith.constant 4 : i32
        %dma_wait3A_264 = arith.constant 0 : i32
        %dma_wait3A_265 = tpu.memref_slice %arg7[%dma_wait3A_263, %dma_wait3A_264] : memref<8x128xi32, #tpu.memory_space<vmem>> -> memref<4x128xi32, #tpu.memory_space<vmem>>
        %dma_wait3A_266 = arith.constant 0 : i32
        %dma_wait3A_267 = tpu.memref_slice %arg3[%add3A_103, %dma_wait3A_266] : memref<2560x128xi32, #tpu.memory_space<hbm>> -> memref<4x128xi32, #tpu.memory_space<hbm>>
        %dma_wait3A_268 = arith.constant 4 : i32
        %dma_wait3A_269 = arith.constant 0 : i32
        %dma_wait3A_270 = tpu.memref_slice %arg7[%dma_wait3A_268, %dma_wait3A_269] : memref<8x128xi32, #tpu.memory_space<vmem>> -> memref<4x128xi32, #tpu.memory_space<vmem>>
        %dma_wait3A_271 = arith.constant 0 : i32
        %dma_wait3A_272 = tpu.memref_slice %arg3[%add3A_103, %dma_wait3A_271] : memref<2560x128xi32, #tpu.memory_space<hbm>> -> memref<4x128xi32, #tpu.memory_space<hbm>>
        tpu.wait_dma2 semaphore(%run_scoped3A : memref<!tpu.dma_semaphore, #tpu.memory_space<semaphore_mem>>) src(%dma_wait3A_272 : memref<4x128xi32, #tpu.memory_space<hbm>>) dst(%dma_wait3A_270 : memref<4x128xi32, #tpu.memory_space<vmem>>)
        tpu.yield
      }) : () -> ()
      "tpu.region"() ({
        %run_scoped3A = tpu.sem_alloc : memref<!tpu.dma_semaphore, #tpu.memory_space<semaphore_mem>>
        %dma_start3A_253 = arith.constant 4 : i32
        %dma_start3A_254 = arith.constant 0 : i32
        %dma_start3A_255 = tpu.memref_slice %arg8[%dma_start3A_253, %dma_start3A_254] : memref<8x128xi32, #tpu.memory_space<vmem>> -> memref<4x128xi32, #tpu.memory_space<vmem>>
        %dma_start3A_256 = arith.constant 0 : i32
        %dma_start3A_257 = tpu.memref_slice %arg4[%add3A_103, %dma_start3A_256] : memref<2560x128xi32, #tpu.memory_space<hbm>> -> memref<4x128xi32, #tpu.memory_space<hbm>>
        %dma_start3A_258 = arith.constant 4 : i32
        %dma_start3A_259 = arith.constant 0 : i32
        %dma_start3A_260 = tpu.memref_slice %arg8[%dma_start3A_258, %dma_start3A_259] : memref<8x128xi32, #tpu.memory_space<vmem>> -> memref<4x128xi32, #tpu.memory_space<vmem>>
        %dma_start3A_261 = arith.constant 0 : i32
        %dma_start3A_262 = tpu.memref_slice %arg4[%add3A_103, %dma_start3A_261] : memref<2560x128xi32, #tpu.memory_space<hbm>> -> memref<4x128xi32, #tpu.memory_space<hbm>>
        tpu.enqueue_dma source(%dma_start3A_262 : memref<4x128xi32, #tpu.memory_space<hbm>>) target(%dma_start3A_260 : memref<4x128xi32, #tpu.memory_space<vmem>>) target_semaphore(%run_scoped3A : memref<!tpu.dma_semaphore, #tpu.memory_space<semaphore_mem>>)
        %dma_wait3A_263 = arith.constant 4 : i32
        %dma_wait3A_264 = arith.constant 0 : i32
        %dma_wait3A_265 = tpu.memref_slice %arg8[%dma_wait3A_263, %dma_wait3A_264] : memref<8x128xi32, #tpu.memory_space<vmem>> -> memref<4x128xi32, #tpu.memory_space<vmem>>
        %dma_wait3A_266 = arith.constant 0 : i32
        %dma_wait3A_267 = tpu.memref_slice %arg4[%add3A_103, %dma_wait3A_266] : memref<2560x128xi32, #tpu.memory_space<hbm>> -> memref<4x128xi32, #tpu.memory_space<hbm>>
        %dma_wait3A_268 = arith.constant 4 : i32
        %dma_wait3A_269 = arith.constant 0 : i32
        %dma_wait3A_270 = tpu.memref_slice %arg8[%dma_wait3A_268, %dma_wait3A_269] : memref<8x128xi32, #tpu.memory_space<vmem>> -> memref<4x128xi32, #tpu.memory_space<vmem>>
        %dma_wait3A_271 = arith.constant 0 : i32
        %dma_wait3A_272 = tpu.memref_slice %arg4[%add3A_103, %dma_wait3A_271] : memref<2560x128xi32, #tpu.memory_space<hbm>> -> memref<4x128xi32, #tpu.memory_space<hbm>>
        tpu.wait_dma2 semaphore(%run_scoped3A : memref<!tpu.dma_semaphore, #tpu.memory_space<semaphore_mem>>) src(%dma_wait3A_272 : memref<4x128xi32, #tpu.memory_space<hbm>>) dst(%dma_wait3A_270 : memref<4x128xi32, #tpu.memory_space<vmem>>)
        tpu.yield
      }) : () -> ()
      %dma_start3A_104 = arith.constant 4 : i32
      %dma_start3A_105 = arith.constant 512 : i32
      %dma_start3A_106 = arith.constant 0 : i32
      %dma_start3A_107 = tpu.memref_slice %arg9[%dma_start3A_105, %dma_start3A_106] : memref<1024x64xf32, #tpu.memory_space<vmem>> -> memref<128x64xf32, #tpu.memory_space<vmem>>
      %dma_start3A_108 = arith.constant 0 : i32
      %dma_start3A_109 = tpu.memref_slice %arg7[%dma_start3A_104, %dma_start3A_108] : memref<8x128xi32, #tpu.memory_space<vmem>> -> memref<1x128xi32, #tpu.memory_space<vmem>>
      %dma_start3A_110 = tpu.memref_squeeze %dma_start3A_109 : memref<1x128xi32, #tpu.memory_space<vmem>> -> memref<128xi32, #tpu.memory_space<vmem>>
      %dma_start3A_111 = arith.constant 0 : i32
      %dma_start3A_112 = arith.constant 0 : i32
      %dma_start3A_113 = tpu.memref_slice %arg2[%dma_start3A_111, %dma_start3A_112] : memref<10240x64xf32, #tpu.memory_space<hbm>> -> memref<10240x64xf32, #tpu.memory_space<hbm>>
      tpu.enqueue_indirect_dma source(%dma_start3A_113 : memref<10240x64xf32, #tpu.memory_space<hbm>>) target(%dma_start3A_107 : memref<128x64xf32, #tpu.memory_space<vmem>>) offsets(%dma_start3A_110 : memref<128xi32, #tpu.memory_space<vmem>>) semaphore(%arg12 : memref<!tpu.dma_semaphore, #tpu.memory_space<semaphore_mem>>)
      %dma_start3A_114 = arith.constant 5 : i32
      %dma_start3A_115 = arith.constant 640 : i32
      %dma_start3A_116 = arith.constant 0 : i32
      %dma_start3A_117 = tpu.memref_slice %arg9[%dma_start3A_115, %dma_start3A_116] : memref<1024x64xf32, #tpu.memory_space<vmem>> -> memref<128x64xf32, #tpu.memory_space<vmem>>
      %dma_start3A_118 = arith.constant 0 : i32
      %dma_start3A_119 = tpu.memref_slice %arg7[%dma_start3A_114, %dma_start3A_118] : memref<8x128xi32, #tpu.memory_space<vmem>> -> memref<1x128xi32, #tpu.memory_space<vmem>>
      %dma_start3A_120 = tpu.memref_squeeze %dma_start3A_119 : memref<1x128xi32, #tpu.memory_space<vmem>> -> memref<128xi32, #tpu.memory_space<vmem>>
      %dma_start3A_121 = arith.constant 0 : i32
      %dma_start3A_122 = arith.constant 0 : i32
      %dma_start3A_123 = tpu.memref_slice %arg2[%dma_start3A_121, %dma_start3A_122] : memref<10240x64xf32, #tpu.memory_space<hbm>> -> memref<10240x64xf32, #tpu.memory_space<hbm>>
      tpu.enqueue_indirect_dma source(%dma_start3A_123 : memref<10240x64xf32, #tpu.memory_space<hbm>>) target(%dma_start3A_117 : memref<128x64xf32, #tpu.memory_space<vmem>>) offsets(%dma_start3A_120 : memref<128xi32, #tpu.memory_space<vmem>>) semaphore(%arg12 : memref<!tpu.dma_semaphore, #tpu.memory_space<semaphore_mem>>)
      %dma_start3A_124 = arith.constant 6 : i32
      %dma_start3A_125 = arith.constant 768 : i32
      %dma_start3A_126 = arith.constant 0 : i32
      %dma_start3A_127 = tpu.memref_slice %arg9[%dma_start3A_125, %dma_start3A_126] : memref<1024x64xf32, #tpu.memory_space<vmem>> -> memref<128x64xf32, #tpu.memory_space<vmem>>
      %dma_start3A_128 = arith.constant 0 : i32
      %dma_start3A_129 = tpu.memref_slice %arg7[%dma_start3A_124, %dma_start3A_128] : memref<8x128xi32, #tpu.memory_space<vmem>> -> memref<1x128xi32, #tpu.memory_space<vmem>>
      %dma_start3A_130 = tpu.memref_squeeze %dma_start3A_129 : memref<1x128xi32, #tpu.memory_space<vmem>> -> memref<128xi32, #tpu.memory_space<vmem>>
      %dma_start3A_131 = arith.constant 0 : i32
      %dma_start3A_132 = arith.constant 0 : i32
      %dma_start3A_133 = tpu.memref_slice %arg2[%dma_start3A_131, %dma_start3A_132] : memref<10240x64xf32, #tpu.memory_space<hbm>> -> memref<10240x64xf32, #tpu.memory_space<hbm>>
      tpu.enqueue_indirect_dma source(%dma_start3A_133 : memref<10240x64xf32, #tpu.memory_space<hbm>>) target(%dma_start3A_127 : memref<128x64xf32, #tpu.memory_space<vmem>>) offsets(%dma_start3A_130 : memref<128xi32, #tpu.memory_space<vmem>>) semaphore(%arg12 : memref<!tpu.dma_semaphore, #tpu.memory_space<semaphore_mem>>)
      %dma_start3A_134 = arith.constant 7 : i32
      %dma_start3A_135 = arith.constant 896 : i32
      %dma_start3A_136 = arith.constant 0 : i32
      %dma_start3A_137 = tpu.memref_slice %arg9[%dma_start3A_135, %dma_start3A_136] : memref<1024x64xf32, #tpu.memory_space<vmem>> -> memref<128x64xf32, #tpu.memory_space<vmem>>
      %dma_start3A_138 = arith.constant 0 : i32
      %dma_start3A_139 = tpu.memref_slice %arg7[%dma_start3A_134, %dma_start3A_138] : memref<8x128xi32, #tpu.memory_space<vmem>> -> memref<1x128xi32, #tpu.memory_space<vmem>>
      %dma_start3A_140 = tpu.memref_squeeze %dma_start3A_139 : memref<1x128xi32, #tpu.memory_space<vmem>> -> memref<128xi32, #tpu.memory_space<vmem>>
      %dma_start3A_141 = arith.constant 0 : i32
      %dma_start3A_142 = arith.constant 0 : i32
      %dma_start3A_143 = tpu.memref_slice %arg2[%dma_start3A_141, %dma_start3A_142] : memref<10240x64xf32, #tpu.memory_space<hbm>> -> memref<10240x64xf32, #tpu.memory_space<hbm>>
      tpu.enqueue_indirect_dma source(%dma_start3A_143 : memref<10240x64xf32, #tpu.memory_space<hbm>>) target(%dma_start3A_137 : memref<128x64xf32, #tpu.memory_space<vmem>>) offsets(%dma_start3A_140 : memref<128xi32, #tpu.memory_space<vmem>>) semaphore(%arg12 : memref<!tpu.dma_semaphore, #tpu.memory_space<semaphore_mem>>)
      %dma_wait3A_144 = arith.constant 0 : i32
      %dma_wait3A_145 = arith.constant 0 : i32
      %dma_wait3A_146 = tpu.memref_slice %arg9[%dma_wait3A_144, %dma_wait3A_145] : memref<1024x64xf32, #tpu.memory_space<vmem>> -> memref<512x64xf32, #tpu.memory_space<vmem>>
      %dma_wait3A_147 = arith.constant 0 : i32
      %dma_wait3A_148 = arith.constant 0 : i32
      %dma_wait3A_149 = tpu.memref_slice %arg2[%dma_wait3A_147, %dma_wait3A_148] : memref<10240x64xf32, #tpu.memory_space<hbm>> -> memref<512x64xf32, #tpu.memory_space<hbm>>
      %dma_wait3A_150 = arith.constant 0 : i32
      %dma_wait3A_151 = arith.constant 0 : i32
      %dma_wait3A_152 = tpu.memref_slice %arg9[%dma_wait3A_150, %dma_wait3A_151] : memref<1024x64xf32, #tpu.memory_space<vmem>> -> memref<512x64xf32, #tpu.memory_space<vmem>>
      %dma_wait3A_153 = arith.constant 0 : i32
      %dma_wait3A_154 = arith.constant 0 : i32
      %dma_wait3A_155 = tpu.memref_slice %arg2[%dma_wait3A_153, %dma_wait3A_154] : memref<10240x64xf32, #tpu.memory_space<hbm>> -> memref<512x64xf32, #tpu.memory_space<hbm>>
      tpu.wait_dma2 semaphore(%arg11 : memref<!tpu.dma_semaphore, #tpu.memory_space<semaphore_mem>>) src(%dma_wait3A_155 : memref<512x64xf32, #tpu.memory_space<hbm>>) dst(%dma_wait3A_152 : memref<512x64xf32, #tpu.memory_space<vmem>>)
      %dma_start3A_156 = arith.constant 0 : i32
      %dma_start3A_157 = arith.constant 0 : i32
      %dma_start3A_158 = arith.constant 0 : i32
      %dma_start3A_159 = tpu.memref_slice %arg9[%dma_start3A_157, %dma_start3A_158] : memref<1024x64xf32, #tpu.memory_space<vmem>> -> memref<128x64xf32, #tpu.memory_space<vmem>>
      %dma_start3A_160 = arith.constant 0 : i32
      %dma_start3A_161 = tpu.memref_slice %arg8[%dma_start3A_156, %dma_start3A_160] : memref<8x128xi32, #tpu.memory_space<vmem>> -> memref<1x128xi32, #tpu.memory_space<vmem>>
      %dma_start3A_162 = tpu.memref_squeeze %dma_start3A_161 : memref<1x128xi32, #tpu.memory_space<vmem>> -> memref<128xi32, #tpu.memory_space<vmem>>
      %dma_start3A_163 = arith.constant 0 : i32
      %dma_start3A_164 = arith.constant 0 : i32
      %dma_start3A_165 = tpu.memref_slice %arg10[%dma_start3A_163, %dma_start3A_164] : memref<10240x64xf32, #tpu.memory_space<vmem_shared>> -> memref<10240x64xf32, #tpu.memory_space<vmem_shared>>
      tpu.enqueue_indirect_dma source(%dma_start3A_159 : memref<128x64xf32, #tpu.memory_space<vmem>>) target(%dma_start3A_165 : memref<10240x64xf32, #tpu.memory_space<vmem_shared>>) offsets(%dma_start3A_162 : memref<128xi32, #tpu.memory_space<vmem>>) semaphore(%arg13 : memref<!tpu.dma_semaphore, #tpu.memory_space<semaphore_mem>>) {add = true}
      %dma_start3A_166 = arith.constant 1 : i32
      %dma_start3A_167 = arith.constant 128 : i32
      %dma_start3A_168 = arith.constant 0 : i32
      %dma_start3A_169 = tpu.memref_slice %arg9[%dma_start3A_167, %dma_start3A_168] : memref<1024x64xf32, #tpu.memory_space<vmem>> -> memref<128x64xf32, #tpu.memory_space<vmem>>
      %dma_start3A_170 = arith.constant 0 : i32
      %dma_start3A_171 = tpu.memref_slice %arg8[%dma_start3A_166, %dma_start3A_170] : memref<8x128xi32, #tpu.memory_space<vmem>> -> memref<1x128xi32, #tpu.memory_space<vmem>>
      %dma_start3A_172 = tpu.memref_squeeze %dma_start3A_171 : memref<1x128xi32, #tpu.memory_space<vmem>> -> memref<128xi32, #tpu.memory_space<vmem>>
      %dma_start3A_173 = arith.constant 0 : i32
      %dma_start3A_174 = arith.constant 0 : i32
      %dma_start3A_175 = tpu.memref_slice %arg10[%dma_start3A_173, %dma_start3A_174] : memref<10240x64xf32, #tpu.memory_space<vmem_shared>> -> memref<10240x64xf32, #tpu.memory_space<vmem_shared>>
      tpu.enqueue_indirect_dma source(%dma_start3A_169 : memref<128x64xf32, #tpu.memory_space<vmem>>) target(%dma_start3A_175 : memref<10240x64xf32, #tpu.memory_space<vmem_shared>>) offsets(%dma_start3A_172 : memref<128xi32, #tpu.memory_space<vmem>>) semaphore(%arg13 : memref<!tpu.dma_semaphore, #tpu.memory_space<semaphore_mem>>) {add = true}
      %dma_start3A_176 = arith.constant 2 : i32
      %dma_start3A_177 = arith.constant 256 : i32
      %dma_start3A_178 = arith.constant 0 : i32
      %dma_start3A_179 = tpu.memref_slice %arg9[%dma_start3A_177, %dma_start3A_178] : memref<1024x64xf32, #tpu.memory_space<vmem>> -> memref<128x64xf32, #tpu.memory_space<vmem>>
      %dma_start3A_180 = arith.constant 0 : i32
      %dma_start3A_181 = tpu.memref_slice %arg8[%dma_start3A_176, %dma_start3A_180] : memref<8x128xi32, #tpu.memory_space<vmem>> -> memref<1x128xi32, #tpu.memory_space<vmem>>
      %dma_start3A_182 = tpu.memref_squeeze %dma_start3A_181 : memref<1x128xi32, #tpu.memory_space<vmem>> -> memref<128xi32, #tpu.memory_space<vmem>>
      %dma_start3A_183 = arith.constant 0 : i32
      %dma_start3A_184 = arith.constant 0 : i32
      %dma_start3A_185 = tpu.memref_slice %arg10[%dma_start3A_183, %dma_start3A_184] : memref<10240x64xf32, #tpu.memory_space<vmem_shared>> -> memref<10240x64xf32, #tpu.memory_space<vmem_shared>>
      tpu.enqueue_indirect_dma source(%dma_start3A_179 : memref<128x64xf32, #tpu.memory_space<vmem>>) target(%dma_start3A_185 : memref<10240x64xf32, #tpu.memory_space<vmem_shared>>) offsets(%dma_start3A_182 : memref<128xi32, #tpu.memory_space<vmem>>) semaphore(%arg13 : memref<!tpu.dma_semaphore, #tpu.memory_space<semaphore_mem>>) {add = true}
      %dma_start3A_186 = arith.constant 3 : i32
      %dma_start3A_187 = arith.constant 384 : i32
      %dma_start3A_188 = arith.constant 0 : i32
      %dma_start3A_189 = tpu.memref_slice %arg9[%dma_start3A_187, %dma_start3A_188] : memref<1024x64xf32, #tpu.memory_space<vmem>> -> memref<128x64xf32, #tpu.memory_space<vmem>>
      %dma_start3A_190 = arith.constant 0 : i32
      %dma_start3A_191 = tpu.memref_slice %arg8[%dma_start3A_186, %dma_start3A_190] : memref<8x128xi32, #tpu.memory_space<vmem>> -> memref<1x128xi32, #tpu.memory_space<vmem>>
      %dma_start3A_192 = tpu.memref_squeeze %dma_start3A_191 : memref<1x128xi32, #tpu.memory_space<vmem>> -> memref<128xi32, #tpu.memory_space<vmem>>
      %dma_start3A_193 = arith.constant 0 : i32
      %dma_start3A_194 = arith.constant 0 : i32
      %dma_start3A_195 = tpu.memref_slice %arg10[%dma_start3A_193, %dma_start3A_194] : memref<10240x64xf32, #tpu.memory_space<vmem_shared>> -> memref<10240x64xf32, #tpu.memory_space<vmem_shared>>
      tpu.enqueue_indirect_dma source(%dma_start3A_189 : memref<128x64xf32, #tpu.memory_space<vmem>>) target(%dma_start3A_195 : memref<10240x64xf32, #tpu.memory_space<vmem_shared>>) offsets(%dma_start3A_192 : memref<128xi32, #tpu.memory_space<vmem>>) semaphore(%arg13 : memref<!tpu.dma_semaphore, #tpu.memory_space<semaphore_mem>>) {add = true}
      %add3A_196 = arith.constant 1 : i32
      %add3A_197 = arith.addi %while3A_94, %add3A_196 : i32
      %lt3A = arith.cmpi slt, %add3A_197, %select_n3A_8 : i32
      %convert_element_type3A_198 = arith.extui %lt3A : i1 to i32
      %cond3A_199 = arith.constant 0 : i32
      %cond3A_200 = arith.cmpi ne, %convert_element_type3A_198, %cond3A_199 : i32
      scf.if %cond3A_200 {
        %dma_wait3A_253 = arith.constant 0 : i32
        %dma_wait3A_254 = arith.constant 0 : i32
        %dma_wait3A_255 = tpu.memref_slice %arg9[%dma_wait3A_253, %dma_wait3A_254] : memref<1024x64xf32, #tpu.memory_space<vmem>> -> memref<512x64xf32, #tpu.memory_space<vmem>>
        %dma_wait3A_256 = arith.constant 0 : i32
        %dma_wait3A_257 = arith.constant 0 : i32
        %dma_wait3A_258 = tpu.memref_slice %arg2[%dma_wait3A_256, %dma_wait3A_257] : memref<10240x64xf32, #tpu.memory_space<hbm>> -> memref<512x64xf32, #tpu.memory_space<hbm>>
        %dma_wait3A_259 = arith.constant 0 : i32
        %dma_wait3A_260 = arith.constant 0 : i32
        %dma_wait3A_261 = tpu.memref_slice %arg9[%dma_wait3A_259, %dma_wait3A_260] : memref<1024x64xf32, #tpu.memory_space<vmem>> -> memref<512x64xf32, #tpu.memory_space<vmem>>
        %dma_wait3A_262 = arith.constant 0 : i32
        %dma_wait3A_263 = arith.constant 0 : i32
        %dma_wait3A_264 = tpu.memref_slice %arg2[%dma_wait3A_262, %dma_wait3A_263] : memref<10240x64xf32, #tpu.memory_space<hbm>> -> memref<512x64xf32, #tpu.memory_space<hbm>>
        tpu.wait_dma2 semaphore(%arg13 : memref<!tpu.dma_semaphore, #tpu.memory_space<semaphore_mem>>) src(%dma_wait3A_264 : memref<512x64xf32, #tpu.memory_space<hbm>>) dst(%dma_wait3A_261 : memref<512x64xf32, #tpu.memory_space<vmem>>)
        %mul3A_265 = arith.constant 2 : i32
        %mul3A_266 = arith.muli %mul3A_265, %while3A_94 : i32
        %add3A_267 = arith.constant 2 : i32
        %add3A_268 = arith.addi %mul3A_266, %add3A_267 : i32
        %mul3A_269 = arith.constant 4 : i32
        %mul3A_270 = arith.muli %add3A_268, %mul3A_269 : i32
        %add3A_271 = arith.addi %select_n3A, %mul3A_270 : i32
        "tpu.region"() ({
          %run_scoped3A = tpu.sem_alloc : memref<!tpu.dma_semaphore, #tpu.memory_space<semaphore_mem>>
          %dma_start3A_312 = arith.constant 0 : i32
          %dma_start3A_313 = arith.constant 0 : i32
          %dma_start3A_314 = tpu.memref_slice %arg7[%dma_start3A_312, %dma_start3A_313] : memref<8x128xi32, #tpu.memory_space<vmem>> -> memref<4x128xi32, #tpu.memory_space<vmem>>
          %dma_start3A_315 = arith.constant 0 : i32
          %dma_start3A_316 = tpu.memref_slice %arg3[%add3A_271, %dma_start3A_315] : memref<2560x128xi32, #tpu.memory_space<hbm>> -> memref<4x128xi32, #tpu.memory_space<hbm>>
          %dma_start3A_317 = arith.constant 0 : i32
          %dma_start3A_318 = arith.constant 0 : i32
          %dma_start3A_319 = tpu.memref_slice %arg7[%dma_start3A_317, %dma_start3A_318] : memref<8x128xi32, #tpu.memory_space<vmem>> -> memref<4x128xi32, #tpu.memory_space<vmem>>
          %dma_start3A_320 = arith.constant 0 : i32
          %dma_start3A_321 = tpu.memref_slice %arg3[%add3A_271, %dma_start3A_320] : memref<2560x128xi32, #tpu.memory_space<hbm>> -> memref<4x128xi32, #tpu.memory_space<hbm>>
          tpu.enqueue_dma source(%dma_start3A_321 : memref<4x128xi32, #tpu.memory_space<hbm>>) target(%dma_start3A_319 : memref<4x128xi32, #tpu.memory_space<vmem>>) target_semaphore(%run_scoped3A : memref<!tpu.dma_semaphore, #tpu.memory_space<semaphore_mem>>)
          %dma_wait3A_322 = arith.constant 0 : i32
          %dma_wait3A_323 = arith.constant 0 : i32
          %dma_wait3A_324 = tpu.memref_slice %arg7[%dma_wait3A_322, %dma_wait3A_323] : memref<8x128xi32, #tpu.memory_space<vmem>> -> memref<4x128xi32, #tpu.memory_space<vmem>>
          %dma_wait3A_325 = arith.constant 0 : i32
          %dma_wait3A_326 = tpu.memref_slice %arg3[%add3A_271, %dma_wait3A_325] : memref<2560x128xi32, #tpu.memory_space<hbm>> -> memref<4x128xi32, #tpu.memory_space<hbm>>
          %dma_wait3A_327 = arith.constant 0 : i32
          %dma_wait3A_328 = arith.constant 0 : i32
          %dma_wait3A_329 = tpu.memref_slice %arg7[%dma_wait3A_327, %dma_wait3A_328] : memref<8x128xi32, #tpu.memory_space<vmem>> -> memref<4x128xi32, #tpu.memory_space<vmem>>
          %dma_wait3A_330 = arith.constant 0 : i32
          %dma_wait3A_331 = tpu.memref_slice %arg3[%add3A_271, %dma_wait3A_330] : memref<2560x128xi32, #tpu.memory_space<hbm>> -> memref<4x128xi32, #tpu.memory_space<hbm>>
          tpu.wait_dma2 semaphore(%run_scoped3A : memref<!tpu.dma_semaphore, #tpu.memory_space<semaphore_mem>>) src(%dma_wait3A_331 : memref<4x128xi32, #tpu.memory_space<hbm>>) dst(%dma_wait3A_329 : memref<4x128xi32, #tpu.memory_space<vmem>>)
          tpu.yield
        }) : () -> ()
        "tpu.region"() ({
          %run_scoped3A = tpu.sem_alloc : memref<!tpu.dma_semaphore, #tpu.memory_space<semaphore_mem>>
          %dma_start3A_312 = arith.constant 0 : i32
          %dma_start3A_313 = arith.constant 0 : i32
          %dma_start3A_314 = tpu.memref_slice %arg8[%dma_start3A_312, %dma_start3A_313] : memref<8x128xi32, #tpu.memory_space<vmem>> -> memref<4x128xi32, #tpu.memory_space<vmem>>
          %dma_start3A_315 = arith.constant 0 : i32
          %dma_start3A_316 = tpu.memref_slice %arg4[%add3A_271, %dma_start3A_315] : memref<2560x128xi32, #tpu.memory_space<hbm>> -> memref<4x128xi32, #tpu.memory_space<hbm>>
          %dma_start3A_317 = arith.constant 0 : i32
          %dma_start3A_318 = arith.constant 0 : i32
          %dma_start3A_319 = tpu.memref_slice %arg8[%dma_start3A_317, %dma_start3A_318] : memref<8x128xi32, #tpu.memory_space<vmem>> -> memref<4x128xi32, #tpu.memory_space<vmem>>
          %dma_start3A_320 = arith.constant 0 : i32
          %dma_start3A_321 = tpu.memref_slice %arg4[%add3A_271, %dma_start3A_320] : memref<2560x128xi32, #tpu.memory_space<hbm>> -> memref<4x128xi32, #tpu.memory_space<hbm>>
          tpu.enqueue_dma source(%dma_start3A_321 : memref<4x128xi32, #tpu.memory_space<hbm>>) target(%dma_start3A_319 : memref<4x128xi32, #tpu.memory_space<vmem>>) target_semaphore(%run_scoped3A : memref<!tpu.dma_semaphore, #tpu.memory_space<semaphore_mem>>)
          %dma_wait3A_322 = arith.constant 0 : i32
          %dma_wait3A_323 = arith.constant 0 : i32
          %dma_wait3A_324 = tpu.memref_slice %arg8[%dma_wait3A_322, %dma_wait3A_323] : memref<8x128xi32, #tpu.memory_space<vmem>> -> memref<4x128xi32, #tpu.memory_space<vmem>>
          %dma_wait3A_325 = arith.constant 0 : i32
          %dma_wait3A_326 = tpu.memref_slice %arg4[%add3A_271, %dma_wait3A_325] : memref<2560x128xi32, #tpu.memory_space<hbm>> -> memref<4x128xi32, #tpu.memory_space<hbm>>
          %dma_wait3A_327 = arith.constant 0 : i32
          %dma_wait3A_328 = arith.constant 0 : i32
          %dma_wait3A_329 = tpu.memref_slice %arg8[%dma_wait3A_327, %dma_wait3A_328] : memref<8x128xi32, #tpu.memory_space<vmem>> -> memref<4x128xi32, #tpu.memory_space<vmem>>
          %dma_wait3A_330 = arith.constant 0 : i32
          %dma_wait3A_331 = tpu.memref_slice %arg4[%add3A_271, %dma_wait3A_330] : memref<2560x128xi32, #tpu.memory_space<hbm>> -> memref<4x128xi32, #tpu.memory_space<hbm>>
          tpu.wait_dma2 semaphore(%run_scoped3A : memref<!tpu.dma_semaphore, #tpu.memory_space<semaphore_mem>>) src(%dma_wait3A_331 : memref<4x128xi32, #tpu.memory_space<hbm>>) dst(%dma_wait3A_329 : memref<4x128xi32, #tpu.memory_space<vmem>>)
          tpu.yield
        }) : () -> ()
        %dma_start3A_272 = arith.constant 0 : i32
        %dma_start3A_273 = arith.constant 0 : i32
        %dma_start3A_274 = arith.constant 0 : i32
        %dma_start3A_275 = tpu.memref_slice %arg9[%dma_start3A_273, %dma_start3A_274] : memref<1024x64xf32, #tpu.memory_space<vmem>> -> memref<128x64xf32, #tpu.memory_space<vmem>>
        %dma_start3A_276 = arith.constant 0 : i32
        %dma_start3A_277 = tpu.memref_slice %arg7[%dma_start3A_272, %dma_start3A_276] : memref<8x128xi32, #tpu.memory_space<vmem>> -> memref<1x128xi32, #tpu.memory_space<vmem>>
        %dma_start3A_278 = tpu.memref_squeeze %dma_start3A_277 : memref<1x128xi32, #tpu.memory_space<vmem>> -> memref<128xi32, #tpu.memory_space<vmem>>
        %dma_start3A_279 = arith.constant 0 : i32
        %dma_start3A_280 = arith.constant 0 : i32
        %dma_start3A_281 = tpu.memref_slice %arg2[%dma_start3A_279, %dma_start3A_280] : memref<10240x64xf32, #tpu.memory_space<hbm>> -> memref<10240x64xf32, #tpu.memory_space<hbm>>
        tpu.enqueue_indirect_dma source(%dma_start3A_281 : memref<10240x64xf32, #tpu.memory_space<hbm>>) target(%dma_start3A_275 : memref<128x64xf32, #tpu.memory_space<vmem>>) offsets(%dma_start3A_278 : memref<128xi32, #tpu.memory_space<vmem>>) semaphore(%arg11 : memref<!tpu.dma_semaphore, #tpu.memory_space<semaphore_mem>>)
        %dma_start3A_282 = arith.constant 1 : i32
        %dma_start3A_283 = arith.constant 128 : i32
        %dma_start3A_284 = arith.constant 0 : i32
        %dma_start3A_285 = tpu.memref_slice %arg9[%dma_start3A_283, %dma_start3A_284] : memref<1024x64xf32, #tpu.memory_space<vmem>> -> memref<128x64xf32, #tpu.memory_space<vmem>>
        %dma_start3A_286 = arith.constant 0 : i32
        %dma_start3A_287 = tpu.memref_slice %arg7[%dma_start3A_282, %dma_start3A_286] : memref<8x128xi32, #tpu.memory_space<vmem>> -> memref<1x128xi32, #tpu.memory_space<vmem>>
        %dma_start3A_288 = tpu.memref_squeeze %dma_start3A_287 : memref<1x128xi32, #tpu.memory_space<vmem>> -> memref<128xi32, #tpu.memory_space<vmem>>
        %dma_start3A_289 = arith.constant 0 : i32
        %dma_start3A_290 = arith.constant 0 : i32
        %dma_start3A_291 = tpu.memref_slice %arg2[%dma_start3A_289, %dma_start3A_290] : memref<10240x64xf32, #tpu.memory_space<hbm>> -> memref<10240x64xf32, #tpu.memory_space<hbm>>
        tpu.enqueue_indirect_dma source(%dma_start3A_291 : memref<10240x64xf32, #tpu.memory_space<hbm>>) target(%dma_start3A_285 : memref<128x64xf32, #tpu.memory_space<vmem>>) offsets(%dma_start3A_288 : memref<128xi32, #tpu.memory_space<vmem>>) semaphore(%arg11 : memref<!tpu.dma_semaphore, #tpu.memory_space<semaphore_mem>>)
        %dma_start3A_292 = arith.constant 2 : i32
        %dma_start3A_293 = arith.constant 256 : i32
        %dma_start3A_294 = arith.constant 0 : i32
        %dma_start3A_295 = tpu.memref_slice %arg9[%dma_start3A_293, %dma_start3A_294] : memref<1024x64xf32, #tpu.memory_space<vmem>> -> memref<128x64xf32, #tpu.memory_space<vmem>>
        %dma_start3A_296 = arith.constant 0 : i32
        %dma_start3A_297 = tpu.memref_slice %arg7[%dma_start3A_292, %dma_start3A_296] : memref<8x128xi32, #tpu.memory_space<vmem>> -> memref<1x128xi32, #tpu.memory_space<vmem>>
        %dma_start3A_298 = tpu.memref_squeeze %dma_start3A_297 : memref<1x128xi32, #tpu.memory_space<vmem>> -> memref<128xi32, #tpu.memory_space<vmem>>
        %dma_start3A_299 = arith.constant 0 : i32
        %dma_start3A_300 = arith.constant 0 : i32
        %dma_start3A_301 = tpu.memref_slice %arg2[%dma_start3A_299, %dma_start3A_300] : memref<10240x64xf32, #tpu.memory_space<hbm>> -> memref<10240x64xf32, #tpu.memory_space<hbm>>
        tpu.enqueue_indirect_dma source(%dma_start3A_301 : memref<10240x64xf32, #tpu.memory_space<hbm>>) target(%dma_start3A_295 : memref<128x64xf32, #tpu.memory_space<vmem>>) offsets(%dma_start3A_298 : memref<128xi32, #tpu.memory_space<vmem>>) semaphore(%arg11 : memref<!tpu.dma_semaphore, #tpu.memory_space<semaphore_mem>>)
        %dma_start3A_302 = arith.constant 3 : i32
        %dma_start3A_303 = arith.constant 384 : i32
        %dma_start3A_304 = arith.constant 0 : i32
        %dma_start3A_305 = tpu.memref_slice %arg9[%dma_start3A_303, %dma_start3A_304] : memref<1024x64xf32, #tpu.memory_space<vmem>> -> memref<128x64xf32, #tpu.memory_space<vmem>>
        %dma_start3A_306 = arith.constant 0 : i32
        %dma_start3A_307 = tpu.memref_slice %arg7[%dma_start3A_302, %dma_start3A_306] : memref<8x128xi32, #tpu.memory_space<vmem>> -> memref<1x128xi32, #tpu.memory_space<vmem>>
        %dma_start3A_308 = tpu.memref_squeeze %dma_start3A_307 : memref<1x128xi32, #tpu.memory_space<vmem>> -> memref<128xi32, #tpu.memory_space<vmem>>
        %dma_start3A_309 = arith.constant 0 : i32
        %dma_start3A_310 = arith.constant 0 : i32
        %dma_start3A_311 = tpu.memref_slice %arg2[%dma_start3A_309, %dma_start3A_310] : memref<10240x64xf32, #tpu.memory_space<hbm>> -> memref<10240x64xf32, #tpu.memory_space<hbm>>
        tpu.enqueue_indirect_dma source(%dma_start3A_311 : memref<10240x64xf32, #tpu.memory_space<hbm>>) target(%dma_start3A_305 : memref<128x64xf32, #tpu.memory_space<vmem>>) offsets(%dma_start3A_308 : memref<128xi32, #tpu.memory_space<vmem>>) semaphore(%arg11 : memref<!tpu.dma_semaphore, #tpu.memory_space<semaphore_mem>>)
      } else {
      }
      %dma_wait3A_201 = arith.constant 512 : i32
      %dma_wait3A_202 = arith.constant 0 : i32
      %dma_wait3A_203 = tpu.memref_slice %arg9[%dma_wait3A_201, %dma_wait3A_202] : memref<1024x64xf32, #tpu.memory_space<vmem>> -> memref<512x64xf32, #tpu.memory_space<vmem>>
      %dma_wait3A_204 = arith.constant 0 : i32
      %dma_wait3A_205 = arith.constant 0 : i32
      %dma_wait3A_206 = tpu.memref_slice %arg2[%dma_wait3A_204, %dma_wait3A_205] : memref<10240x64xf32, #tpu.memory_space<hbm>> -> memref<512x64xf32, #tpu.memory_space<hbm>>
      %dma_wait3A_207 = arith.constant 512 : i32
      %dma_wait3A_208 = arith.constant 0 : i32
      %dma_wait3A_209 = tpu.memref_slice %arg9[%dma_wait3A_207, %dma_wait3A_208] : memref<1024x64xf32, #tpu.memory_space<vmem>> -> memref<512x64xf32, #tpu.memory_space<vmem>>
      %dma_wait3A_210 = arith.constant 0 : i32
      %dma_wait3A_211 = arith.constant 0 : i32
      %dma_wait3A_212 = tpu.memref_slice %arg2[%dma_wait3A_210, %dma_wait3A_211] : memref<10240x64xf32, #tpu.memory_space<hbm>> -> memref<512x64xf32, #tpu.memory_space<hbm>>
      tpu.wait_dma2 semaphore(%arg12 : memref<!tpu.dma_semaphore, #tpu.memory_space<semaphore_mem>>) src(%dma_wait3A_212 : memref<512x64xf32, #tpu.memory_space<hbm>>) dst(%dma_wait3A_209 : memref<512x64xf32, #tpu.memory_space<vmem>>)
      %dma_start3A_213 = arith.constant 4 : i32
      %dma_start3A_214 = arith.constant 512 : i32
      %dma_start3A_215 = arith.constant 0 : i32
      %dma_start3A_216 = tpu.memref_slice %arg9[%dma_start3A_214, %dma_start3A_215] : memref<1024x64xf32, #tpu.memory_space<vmem>> -> memref<128x64xf32, #tpu.memory_space<vmem>>
      %dma_start3A_217 = arith.constant 0 : i32
      %dma_start3A_218 = tpu.memref_slice %arg8[%dma_start3A_213, %dma_start3A_217] : memref<8x128xi32, #tpu.memory_space<vmem>> -> memref<1x128xi32, #tpu.memory_space<vmem>>
      %dma_start3A_219 = tpu.memref_squeeze %dma_start3A_218 : memref<1x128xi32, #tpu.memory_space<vmem>> -> memref<128xi32, #tpu.memory_space<vmem>>
      %dma_start3A_220 = arith.constant 0 : i32
      %dma_start3A_221 = arith.constant 0 : i32
      %dma_start3A_222 = tpu.memref_slice %arg10[%dma_start3A_220, %dma_start3A_221] : memref<10240x64xf32, #tpu.memory_space<vmem_shared>> -> memref<10240x64xf32, #tpu.memory_space<vmem_shared>>
      tpu.enqueue_indirect_dma source(%dma_start3A_216 : memref<128x64xf32, #tpu.memory_space<vmem>>) target(%dma_start3A_222 : memref<10240x64xf32, #tpu.memory_space<vmem_shared>>) offsets(%dma_start3A_219 : memref<128xi32, #tpu.memory_space<vmem>>) semaphore(%arg14 : memref<!tpu.dma_semaphore, #tpu.memory_space<semaphore_mem>>) {add = true}
      %dma_start3A_223 = arith.constant 5 : i32
      %dma_start3A_224 = arith.constant 640 : i32
      %dma_start3A_225 = arith.constant 0 : i32
      %dma_start3A_226 = tpu.memref_slice %arg9[%dma_start3A_224, %dma_start3A_225] : memref<1024x64xf32, #tpu.memory_space<vmem>> -> memref<128x64xf32, #tpu.memory_space<vmem>>
      %dma_start3A_227 = arith.constant 0 : i32
      %dma_start3A_228 = tpu.memref_slice %arg8[%dma_start3A_223, %dma_start3A_227] : memref<8x128xi32, #tpu.memory_space<vmem>> -> memref<1x128xi32, #tpu.memory_space<vmem>>
      %dma_start3A_229 = tpu.memref_squeeze %dma_start3A_228 : memref<1x128xi32, #tpu.memory_space<vmem>> -> memref<128xi32, #tpu.memory_space<vmem>>
      %dma_start3A_230 = arith.constant 0 : i32
      %dma_start3A_231 = arith.constant 0 : i32
      %dma_start3A_232 = tpu.memref_slice %arg10[%dma_start3A_230, %dma_start3A_231] : memref<10240x64xf32, #tpu.memory_space<vmem_shared>> -> memref<10240x64xf32, #tpu.memory_space<vmem_shared>>
      tpu.enqueue_indirect_dma source(%dma_start3A_226 : memref<128x64xf32, #tpu.memory_space<vmem>>) target(%dma_start3A_232 : memref<10240x64xf32, #tpu.memory_space<vmem_shared>>) offsets(%dma_start3A_229 : memref<128xi32, #tpu.memory_space<vmem>>) semaphore(%arg14 : memref<!tpu.dma_semaphore, #tpu.memory_space<semaphore_mem>>) {add = true}
      %dma_start3A_233 = arith.constant 6 : i32
      %dma_start3A_234 = arith.constant 768 : i32
      %dma_start3A_235 = arith.constant 0 : i32
      %dma_start3A_236 = tpu.memref_slice %arg9[%dma_start3A_234, %dma_start3A_235] : memref<1024x64xf32, #tpu.memory_space<vmem>> -> memref<128x64xf32, #tpu.memory_space<vmem>>
      %dma_start3A_237 = arith.constant 0 : i32
      %dma_start3A_238 = tpu.memref_slice %arg8[%dma_start3A_233, %dma_start3A_237] : memref<8x128xi32, #tpu.memory_space<vmem>> -> memref<1x128xi32, #tpu.memory_space<vmem>>
      %dma_start3A_239 = tpu.memref_squeeze %dma_start3A_238 : memref<1x128xi32, #tpu.memory_space<vmem>> -> memref<128xi32, #tpu.memory_space<vmem>>
      %dma_start3A_240 = arith.constant 0 : i32
      %dma_start3A_241 = arith.constant 0 : i32
      %dma_start3A_242 = tpu.memref_slice %arg10[%dma_start3A_240, %dma_start3A_241] : memref<10240x64xf32, #tpu.memory_space<vmem_shared>> -> memref<10240x64xf32, #tpu.memory_space<vmem_shared>>
      tpu.enqueue_indirect_dma source(%dma_start3A_236 : memref<128x64xf32, #tpu.memory_space<vmem>>) target(%dma_start3A_242 : memref<10240x64xf32, #tpu.memory_space<vmem_shared>>) offsets(%dma_start3A_239 : memref<128xi32, #tpu.memory_space<vmem>>) semaphore(%arg14 : memref<!tpu.dma_semaphore, #tpu.memory_space<semaphore_mem>>) {add = true}
      %dma_start3A_243 = arith.constant 7 : i32
      %dma_start3A_244 = arith.constant 896 : i32
      %dma_start3A_245 = arith.constant 0 : i32
      %dma_start3A_246 = tpu.memref_slice %arg9[%dma_start3A_244, %dma_start3A_245] : memref<1024x64xf32, #tpu.memory_space<vmem>> -> memref<128x64xf32, #tpu.memory_space<vmem>>
      %dma_start3A_247 = arith.constant 0 : i32
      %dma_start3A_248 = tpu.memref_slice %arg8[%dma_start3A_243, %dma_start3A_247] : memref<8x128xi32, #tpu.memory_space<vmem>> -> memref<1x128xi32, #tpu.memory_space<vmem>>
      %dma_start3A_249 = tpu.memref_squeeze %dma_start3A_248 : memref<1x128xi32, #tpu.memory_space<vmem>> -> memref<128xi32, #tpu.memory_space<vmem>>
      %dma_start3A_250 = arith.constant 0 : i32
      %dma_start3A_251 = arith.constant 0 : i32
      %dma_start3A_252 = tpu.memref_slice %arg10[%dma_start3A_250, %dma_start3A_251] : memref<10240x64xf32, #tpu.memory_space<vmem_shared>> -> memref<10240x64xf32, #tpu.memory_space<vmem_shared>>
      tpu.enqueue_indirect_dma source(%dma_start3A_246 : memref<128x64xf32, #tpu.memory_space<vmem>>) target(%dma_start3A_252 : memref<10240x64xf32, #tpu.memory_space<vmem_shared>>) offsets(%dma_start3A_249 : memref<128xi32, #tpu.memory_space<vmem>>) semaphore(%arg14 : memref<!tpu.dma_semaphore, #tpu.memory_space<semaphore_mem>>) {add = true}
    }
    %dma_wait3A = arith.constant 0 : i32
    %dma_wait3A_63 = arith.constant 0 : i32
    %dma_wait3A_64 = tpu.memref_slice %arg9[%dma_wait3A, %dma_wait3A_63] : memref<1024x64xf32, #tpu.memory_space<vmem>> -> memref<512x64xf32, #tpu.memory_space<vmem>>
    %dma_wait3A_65 = arith.constant 0 : i32
    %dma_wait3A_66 = arith.constant 0 : i32
    %dma_wait3A_67 = tpu.memref_slice %arg2[%dma_wait3A_65, %dma_wait3A_66] : memref<10240x64xf32, #tpu.memory_space<hbm>> -> memref<512x64xf32, #tpu.memory_space<hbm>>
    %dma_wait3A_68 = arith.constant 0 : i32
    %dma_wait3A_69 = arith.constant 0 : i32
    %dma_wait3A_70 = tpu.memref_slice %arg9[%dma_wait3A_68, %dma_wait3A_69] : memref<1024x64xf32, #tpu.memory_space<vmem>> -> memref<512x64xf32, #tpu.memory_space<vmem>>
    %dma_wait3A_71 = arith.constant 0 : i32
    %dma_wait3A_72 = arith.constant 0 : i32
    %dma_wait3A_73 = tpu.memref_slice %arg2[%dma_wait3A_71, %dma_wait3A_72] : memref<10240x64xf32, #tpu.memory_space<hbm>> -> memref<512x64xf32, #tpu.memory_space<hbm>>
    tpu.wait_dma2 semaphore(%arg13 : memref<!tpu.dma_semaphore, #tpu.memory_space<semaphore_mem>>) src(%dma_wait3A_73 : memref<512x64xf32, #tpu.memory_space<hbm>>) dst(%dma_wait3A_70 : memref<512x64xf32, #tpu.memory_space<vmem>>)
    %dma_wait3A_74 = arith.constant 512 : i32
    %dma_wait3A_75 = arith.constant 0 : i32
    %dma_wait3A_76 = tpu.memref_slice %arg9[%dma_wait3A_74, %dma_wait3A_75] : memref<1024x64xf32, #tpu.memory_space<vmem>> -> memref<512x64xf32, #tpu.memory_space<vmem>>
    %dma_wait3A_77 = arith.constant 0 : i32
    %dma_wait3A_78 = arith.constant 0 : i32
    %dma_wait3A_79 = tpu.memref_slice %arg2[%dma_wait3A_77, %dma_wait3A_78] : memref<10240x64xf32, #tpu.memory_space<hbm>> -> memref<512x64xf32, #tpu.memory_space<hbm>>
    %dma_wait3A_80 = arith.constant 512 : i32
    %dma_wait3A_81 = arith.constant 0 : i32
    %dma_wait3A_82 = tpu.memref_slice %arg9[%dma_wait3A_80, %dma_wait3A_81] : memref<1024x64xf32, #tpu.memory_space<vmem>> -> memref<512x64xf32, #tpu.memory_space<vmem>>
    %dma_wait3A_83 = arith.constant 0 : i32
    %dma_wait3A_84 = arith.constant 0 : i32
    %dma_wait3A_85 = tpu.memref_slice %arg2[%dma_wait3A_83, %dma_wait3A_84] : memref<10240x64xf32, #tpu.memory_space<hbm>> -> memref<512x64xf32, #tpu.memory_space<hbm>>
    tpu.wait_dma2 semaphore(%arg14 : memref<!tpu.dma_semaphore, #tpu.memory_space<semaphore_mem>>) src(%dma_wait3A_85 : memref<512x64xf32, #tpu.memory_space<hbm>>) dst(%dma_wait3A_82 : memref<512x64xf32, #tpu.memory_space<vmem>>)
    %barrier3A_86 = arith.constant 0 : index
    tpu.barrier barrier_id(%barrier3A_86)
    %mul3A_87 = arith.constant 640 : i32
    %mul3A_88 = arith.muli %arg1, %mul3A_87 : i32
    %mul3A_89 = arith.constant 10240 : i32
    %mul3A_90 = arith.muli %arg0, %mul3A_89 : i32
    %mul3A_91 = arith.constant 640 : i32
    %mul3A_92 = arith.muli %arg1, %mul3A_91 : i32
    %add3A_93 = arith.addi %mul3A_90, %mul3A_92 : i32
    "tpu.region"() ({
      %run_scoped3A = tpu.sem_alloc : memref<!tpu.dma_semaphore, #tpu.memory_space<semaphore_mem>>
      %dma_start3A_94 = arith.constant 0 : i32
      %dma_start3A_95 = tpu.memref_slice %arg6[%add3A_93, %dma_start3A_94] : memref<20480x64xf32, #tpu.memory_space<hbm>> -> memref<640x64xf32, #tpu.memory_space<hbm>>
      %dma_start3A_96 = arith.constant 0 : i32
      %dma_start3A_97 = tpu.memref_slice %arg10[%mul3A_88, %dma_start3A_96] : memref<10240x64xf32, #tpu.memory_space<vmem_shared>> -> memref<640x64xf32, #tpu.memory_space<vmem_shared>>
      tpu.enqueue_dma source(%dma_start3A_97 : memref<640x64xf32, #tpu.memory_space<vmem_shared>>) target(%dma_start3A_95 : memref<640x64xf32, #tpu.memory_space<hbm>>) target_semaphore(%run_scoped3A : memref<!tpu.dma_semaphore, #tpu.memory_space<semaphore_mem>>)
      %dma_wait3A_98 = arith.constant 0 : i32
      %dma_wait3A_99 = tpu.memref_slice %arg6[%add3A_93, %dma_wait3A_98] : memref<20480x64xf32, #tpu.memory_space<hbm>> -> memref<640x64xf32, #tpu.memory_space<hbm>>
      %dma_wait3A_100 = arith.constant 0 : i32
      %dma_wait3A_101 = tpu.memref_slice %arg10[%mul3A_88, %dma_wait3A_100] : memref<10240x64xf32, #tpu.memory_space<vmem_shared>> -> memref<640x64xf32, #tpu.memory_space<vmem_shared>>
      tpu.wait_dma2 semaphore(%run_scoped3A : memref<!tpu.dma_semaphore, #tpu.memory_space<semaphore_mem>>) src(%dma_wait3A_101 : memref<640x64xf32, #tpu.memory_space<vmem_shared>>) dst(%dma_wait3A_99 : memref<640x64xf32, #tpu.memory_space<hbm>>)
      tpu.yield
    }) : () -> ()
    return
  }
}

module attributes {stable_mosaic.version = 14 : i64} {
  func.func @body(%arg0: i32, %arg1: memref<1280x128xf32, #tpu.memory_space<vmem>>, %arg2: memref<128x64xf32, #tpu.memory_space<vmem>>, %arg3: memref<1280x16xf32, #tpu.memory_space<vmem>>, %arg4: memref<1280x16xf32, #tpu.memory_space<vmem>>, %arg5: memref<1280x64xf32, #tpu.memory_space<vmem>>) attributes {dimension_semantics = [#tpu.dimension_semantics<arbitrary>], iteration_bounds = array<i64: 8>, scalar_prefetch = 0 : i64, scratch_operands = 0 : i64, tpu.core_type = #tpu.core_type<tc>, window_params = [{transform_indices = @transform_0, window_bounds = array<i64: 1280, 128>}, {pipeline_mode = #tpu.pipeline_mode<synchronous>, transform_indices = @transform_1, window_bounds = array<i64: 128, 64>}, {transform_indices = @transform_2, window_bounds = array<i64: 1280, 16>}, {transform_indices = @transform_3, window_bounds = array<i64: 1280, 16>}, {transform_indices = @transform_4, window_bounds = array<i64: 1280, 64>}]} {
    %get3A = arith.constant 0 : index
    %get3A_0 = arith.constant 0 : index
    %get3A_1 = vector.load %arg3[%get3A, %get3A_0] : memref<1280x16xf32, #tpu.memory_space<vmem>>, vector<1280x1xf32>
    %get3A_2 = arith.constant 0 : index
    %get3A_3 = arith.constant 0 : index
    %get3A_4 = vector.load %arg4[%get3A_2, %get3A_3] : memref<1280x16xf32, #tpu.memory_space<vmem>>, vector<1280x1xf32>
    %add3A = arith.addf %get3A_1, %get3A_4 : vector<1280x1xf32>
    %add3A_5 = arith.constant 1.000000e+00 : f32
    %add3A_6 = vector.broadcast %add3A_5 : f32 to vector<1280x1xf32>
    %add3A_7 = arith.addf %add3A, %add3A_6 : vector<1280x1xf32>
    %rsqrt3A = math.rsqrt %add3A_7 : vector<1280x1xf32>
    %get3A_8 = arith.constant 0 : index
    %get3A_9 = arith.constant 0 : index
    %get3A_10 = vector.load %arg1[%get3A_8, %get3A_9] : memref<1280x128xf32, #tpu.memory_space<vmem>>, vector<1280x128xf32>
    %convert_element_type3A = arith.truncf %get3A_10 : vector<1280x128xf32> to vector<1280x128xbf16>
    %get3A_11 = arith.constant 0 : index
    %get3A_12 = arith.constant 0 : index
    %get3A_13 = vector.load %arg2[%get3A_11, %get3A_12] : memref<128x64xf32, #tpu.memory_space<vmem>>, vector<128x64xf32>
    %convert_element_type3A_14 = arith.truncf %get3A_13 : vector<128x64xf32> to vector<128x64xbf16>
    %dot_general3A = arith.constant dense<0.000000e+00> : vector<1280x64xf32>
    %dot_general3A_15 = tpu.matmul %convert_element_type3A, %convert_element_type3A_14, %dot_general3A {dimension_numbers = #tpu.dot_dimension_numbers<[1], [0], [0], [1], [0, 0, 1, 1], [], []>, transpose_lhs_hint = false} : vector<1280x128xbf16>, vector<128x64xbf16>, vector<1280x64xf32> -> vector<1280x64xf32>
    %mul3A = vector.broadcast %rsqrt3A : vector<1280x1xf32> to vector<1280x64xf32>
    %mul3A_16 = arith.mulf %mul3A, %dot_general3A_15 : vector<1280x64xf32>
    %swap3A = arith.constant 0 : index
    %swap3A_17 = arith.constant 0 : index
    %swap3A_18 = vector.load %arg5[%swap3A, %swap3A_17] : memref<1280x64xf32, #tpu.memory_space<vmem>>, vector<1280x64xf32>
    tpu.vector_store %arg5[%swap3A, %swap3A_17], %mul3A_16 {strides = array<i32>} : memref<1280x64xf32, #tpu.memory_space<vmem>>, vector<1280x64xf32>,
    return
  }
  func.func @transform_0(%arg0: i32) -> (i32, i32) {
    %c0_i32 = arith.constant 0 : i32
    %c0_i32_0 = arith.constant 0 : i32
    return %arg0, %c0_i32 : i32, i32
  }
  func.func @transform_1(%arg0: i32) -> (i32, i32) {
    %c0_i32 = arith.constant 0 : i32
    %c0_i32_0 = arith.constant 0 : i32
    %c0_i32_1 = arith.constant 0 : i32
    return %c0_i32, %c0_i32_0 : i32, i32
  }
  func.func @transform_2(%arg0: i32) -> (i32, i32) {
    %c0_i32 = arith.constant 0 : i32
    %c0_i32_0 = arith.constant 0 : i32
    return %arg0, %c0_i32 : i32, i32
  }
  func.func @transform_3(%arg0: i32) -> (i32, i32) {
    %add3A = arith.constant 8 : i32
    %add3A_0 = arith.addi %add3A, %arg0 : i32
    %c0_i32 = arith.constant 0 : i32
    %c0_i32_1 = arith.constant 0 : i32
    return %add3A_0, %c0_i32 : i32, i32
  }
  func.func @transform_4(%arg0: i32) -> (i32, i32) {
    %c0_i32 = arith.constant 0 : i32
    %c0_i32_0 = arith.constant 0 : i32
    return %arg0, %c0_i32 : i32, i32
  }
}

module attributes {stable_mosaic.version = 14 : i64} {
  func.func @body(%arg0: i32, %arg1: memref<1280x64xf32, #tpu.memory_space<vmem>>, %arg2: memref<1280x64xf32, #tpu.memory_space<vmem>>, %arg3: memref<1280x64xf32, #tpu.memory_space<vmem>>, %arg4: memref<1280x16xf32, #tpu.memory_space<vmem>>, %arg5: memref<1280x16xf32, #tpu.memory_space<vmem>>, %arg6: memref<1x1x1280xi32, #tpu.memory_space<vmem>>, %arg7: memref<1x64xf32, #tpu.memory_space<vmem>>, %arg8: memref<64x16xf32, #tpu.memory_space<vmem>>, %arg9: memref<1x16xf32, #tpu.memory_space<vmem>>, %arg10: memref<16x1xf32, #tpu.memory_space<vmem>>, %arg11: memref<1x1xf32, #tpu.memory_space<vmem>>, %arg12: memref<64x1xf32, #tpu.memory_space<vmem>>, %arg13: memref<64x64xf32, #tpu.memory_space<vmem>>) attributes {dimension_semantics = [#tpu.dimension_semantics<arbitrary>], iteration_bounds = array<i64: 8>, scalar_prefetch = 0 : i64, scratch_operands = 1 : i64, tpu.core_type = #tpu.core_type<tc>, window_params = [{transform_indices = @transform_0, window_bounds = array<i64: 1280, 64>}, {transform_indices = @transform_1, window_bounds = array<i64: 1280, 64>}, {transform_indices = @transform_2, window_bounds = array<i64: 1280, 64>}, {transform_indices = @transform_3, window_bounds = array<i64: 1280, 16>}, {transform_indices = @transform_4, window_bounds = array<i64: 1280, 16>}, {transform_indices = @transform_5, window_bounds = array<i64: 1, 1, 1280>}, {pipeline_mode = #tpu.pipeline_mode<synchronous>, transform_indices = @transform_6, window_bounds = array<i64: 1, 64>}, {pipeline_mode = #tpu.pipeline_mode<synchronous>, transform_indices = @transform_7, window_bounds = array<i64: 64, 16>}, {pipeline_mode = #tpu.pipeline_mode<synchronous>, transform_indices = @transform_8, window_bounds = array<i64: 1, 16>}, {pipeline_mode = #tpu.pipeline_mode<synchronous>, transform_indices = @transform_9, window_bounds = array<i64: 16, 1>}, {pipeline_mode = #tpu.pipeline_mode<synchronous>, transform_indices = @transform_10, window_bounds = array<i64: 1, 1>}, {pipeline_mode = #tpu.pipeline_mode<synchronous>, transform_indices = @transform_11, window_bounds = array<i64: 64, 1>}]} {
    %eq3A = arith.constant 0 : i32
    %eq3A_0 = arith.cmpi eq, %arg0, %eq3A : i32
    %convert_element_type3A = arith.extui %eq3A_0 : i1 to i32
    %cond3A = arith.constant 0 : i32
    %cond3A_1 = arith.cmpi ne, %convert_element_type3A, %cond3A : i32
    scf.if %cond3A_1 {
      %broadcast_in_dim3A_50 = arith.constant 0.000000e+00 : f32
      %broadcast_in_dim3A_51 = vector.broadcast %broadcast_in_dim3A_50 : f32 to vector<64x64xf32>
      %swap3A_52 = arith.constant 0 : index
      %swap3A_53 = arith.constant 0 : index
      %swap3A_54 = vector.load %arg13[%swap3A_52, %swap3A_53] : memref<64x64xf32, #tpu.memory_space<vmem>>, vector<64x64xf32>
      tpu.vector_store %arg13[%swap3A_52, %swap3A_53], %broadcast_in_dim3A_51 {strides = array<i32>} : memref<64x64xf32, #tpu.memory_space<vmem>>, vector<64x64xf32>,
    } else {
    }
    %get3A = arith.constant 0 : index
    %get3A_2 = arith.constant 0 : index
    %get3A_3 = vector.load %arg4[%get3A, %get3A_2] : memref<1280x16xf32, #tpu.memory_space<vmem>>, vector<1280x1xf32>
    %get3A_4 = arith.constant 0 : index
    %get3A_5 = arith.constant 0 : index
    %get3A_6 = vector.load %arg5[%get3A_4, %get3A_5] : memref<1280x16xf32, #tpu.memory_space<vmem>>, vector<1280x1xf32>
    %add3A = arith.addf %get3A_3, %get3A_6 : vector<1280x1xf32>
    %add3A_7 = arith.constant 1.000000e+00 : f32
    %add3A_8 = vector.broadcast %add3A_7 : f32 to vector<1280x1xf32>
    %add3A_9 = arith.addf %add3A, %add3A_8 : vector<1280x1xf32>
    %rsqrt3A = math.rsqrt %add3A_9 : vector<1280x1xf32>
    %get3A_10 = arith.constant 0 : index
    %get3A_11 = arith.constant 0 : index
    %get3A_12 = vector.load %arg1[%get3A_10, %get3A_11] : memref<1280x64xf32, #tpu.memory_space<vmem>>, vector<1280x64xf32>
    %get3A_13 = arith.constant 0 : index
    %get3A_14 = arith.constant 0 : index
    %get3A_15 = vector.load %arg2[%get3A_13, %get3A_14] : memref<1280x64xf32, #tpu.memory_space<vmem>>, vector<1280x64xf32>
    %add3A_16 = arith.addf %get3A_12, %get3A_15 : vector<1280x64xf32>
    %get3A_17 = arith.constant 0 : index
    %get3A_18 = arith.constant 0 : index
    %get3A_19 = vector.load %arg3[%get3A_17, %get3A_18] : memref<1280x64xf32, #tpu.memory_space<vmem>>, vector<1280x64xf32>
    %add3A_20 = arith.addf %add3A_16, %get3A_19 : vector<1280x64xf32>
    %mul3A = vector.broadcast %rsqrt3A : vector<1280x1xf32> to vector<1280x64xf32>
    %mul3A_21 = arith.mulf %mul3A, %add3A_20 : vector<1280x64xf32>
    %get3A_22 = arith.constant 0 : index
    %get3A_23 = arith.constant 0 : index
    %get3A_24 = vector.load %arg7[%get3A_22, %get3A_23] : memref<1x64xf32, #tpu.memory_space<vmem>>, vector<1x64xf32>
    %add3A_25 = vector.broadcast %get3A_24 : vector<1x64xf32> to vector<1280x64xf32>
    %add3A_26 = arith.addf %mul3A_21, %add3A_25 : vector<1280x64xf32>
    %max3A = arith.constant 0.000000e+00 : f32
    %max3A_27 = vector.broadcast %max3A : f32 to vector<1280x64xf32>
    %max3A_28 = arith.maximumf %add3A_26, %max3A_27 : vector<1280x64xf32>
    %get3A_29 = arith.constant 0 : index
    %get3A_30 = arith.constant 0 : index
    %get3A_31 = arith.constant 0 : index
    %get3A_32 = vector.load %arg6[%get3A_29, %get3A_30, %get3A_31] : memref<1x1x1280xi32, #tpu.memory_space<vmem>>, vector<1x1x1280xi32>
    %get3A_33 = vector.shape_cast %get3A_32 : vector<1x1x1280xi32> to vector<1280xi32>
    %broadcast_in_dim3A = vector.shape_cast %get3A_33 : vector<1280xi32> to vector<1x1280xi32>
    %iota3A = tpu.iota {dimensions = array<i32: 0>} : vector<64x1280xi32>
    %eq3A_34 = vector.broadcast %broadcast_in_dim3A : vector<1x1280xi32> to vector<64x1280xi32>
    %eq3A_35 = arith.cmpi eq, %eq3A_34, %iota3A : vector<64x1280xi32>
    %convert_element_type3A_36 = arith.extui %eq3A_35 : vector<64x1280xi1> to vector<64x1280xi32>
    %convert_element_type3A_37 = arith.sitofp %convert_element_type3A_36 : vector<64x1280xi32> to vector<64x1280xf32>
    %get3A_38 = arith.constant 0 : index
    %get3A_39 = arith.constant 0 : index
    %get3A_40 = vector.load %arg13[%get3A_38, %get3A_39] : memref<64x64xf32, #tpu.memory_space<vmem>>, vector<64x64xf32>
    %dot_general3A = arith.constant dense<0.000000e+00> : vector<64x64xf32>
    %dot_general3A_41 = tpu.matmul %convert_element_type3A_37, %max3A_28, %dot_general3A {dimension_numbers = #tpu.dot_dimension_numbers<[1], [0], [0], [1], [0, 0, 1, 1], [], []>, precision = #tpu.contract_precision<fp32>, transpose_lhs_hint = false} : vector<64x1280xf32>, vector<1280x64xf32>, vector<64x64xf32> -> vector<64x64xf32>
    %add3A_42 = arith.addf %get3A_40, %dot_general3A_41 : vector<64x64xf32>
    %swap3A = arith.constant 0 : index
    %swap3A_43 = arith.constant 0 : index
    %swap3A_44 = vector.load %arg13[%swap3A, %swap3A_43] : memref<64x64xf32, #tpu.memory_space<vmem>>, vector<64x64xf32>
    tpu.vector_store %arg13[%swap3A, %swap3A_43], %add3A_42 {strides = array<i32>} : memref<64x64xf32, #tpu.memory_space<vmem>>, vector<64x64xf32>,
    %eq3A_45 = arith.constant 7 : i32
    %eq3A_46 = arith.cmpi eq, %arg0, %eq3A_45 : i32
    %convert_element_type3A_47 = arith.extui %eq3A_46 : i1 to i32
    %cond3A_48 = arith.constant 0 : i32
    %cond3A_49 = arith.cmpi ne, %convert_element_type3A_47, %cond3A_48 : i32
    scf.if %cond3A_49 {
      %get3A_50 = arith.constant 0 : index
      %get3A_51 = arith.constant 0 : index
      %get3A_52 = vector.load %arg13[%get3A_50, %get3A_51] : memref<64x64xf32, #tpu.memory_space<vmem>>, vector<64x64xf32>
      %convert_element_type3A_53 = arith.truncf %get3A_52 : vector<64x64xf32> to vector<64x64xbf16>
      %get3A_54 = arith.constant 0 : index
      %get3A_55 = arith.constant 0 : index
      %get3A_56 = vector.load %arg8[%get3A_54, %get3A_55] : memref<64x16xf32, #tpu.memory_space<vmem>>, vector<64x16xf32>
      %convert_element_type3A_57 = arith.truncf %get3A_56 : vector<64x16xf32> to vector<64x16xbf16>
      %dot_general3A_58 = arith.constant dense<0.000000e+00> : vector<64x16xf32>
      %dot_general3A_59 = tpu.matmul %convert_element_type3A_53, %convert_element_type3A_57, %dot_general3A_58 {dimension_numbers = #tpu.dot_dimension_numbers<[1], [0], [0], [1], [0, 0, 1, 1], [], []>, transpose_lhs_hint = false} : vector<64x64xbf16>, vector<64x16xbf16>, vector<64x16xf32> -> vector<64x16xf32>
      %get3A_60 = arith.constant 0 : index
      %get3A_61 = arith.constant 0 : index
      %get3A_62 = vector.load %arg9[%get3A_60, %get3A_61] : memref<1x16xf32, #tpu.memory_space<vmem>>, vector<1x16xf32>
      %add3A_63 = vector.broadcast %get3A_62 : vector<1x16xf32> to vector<64x16xf32>
      %add3A_64 = arith.addf %dot_general3A_59, %add3A_63 : vector<64x16xf32>
      %max3A_65 = arith.constant 0.000000e+00 : f32
      %max3A_66 = vector.broadcast %max3A_65 : f32 to vector<64x16xf32>
      %max3A_67 = arith.maximumf %add3A_64, %max3A_66 : vector<64x16xf32>
      %convert_element_type3A_68 = arith.truncf %max3A_67 : vector<64x16xf32> to vector<64x16xbf16>
      %get3A_69 = arith.constant 0 : index
      %get3A_70 = arith.constant 0 : index
      %get3A_71 = vector.load %arg10[%get3A_69, %get3A_70] : memref<16x1xf32, #tpu.memory_space<vmem>>, vector<16x1xf32>
      %convert_element_type3A_72 = arith.truncf %get3A_71 : vector<16x1xf32> to vector<16x1xbf16>
      %dot_general3A_73 = arith.constant dense<0.000000e+00> : vector<64x1xf32>
      %dot_general3A_74 = tpu.matmul %convert_element_type3A_68, %convert_element_type3A_72, %dot_general3A_73 {dimension_numbers = #tpu.dot_dimension_numbers<[1], [0], [0], [1], [0, 0, 1, 1], [], []>, transpose_lhs_hint = false} : vector<64x16xbf16>, vector<16x1xbf16>, vector<64x1xf32> -> vector<64x1xf32>
      %get3A_75 = arith.constant 0 : index
      %get3A_76 = arith.constant 0 : index
      %get3A_77 = vector.load %arg11[%get3A_75, %get3A_76] : memref<1x1xf32, #tpu.memory_space<vmem>>, vector<1x1xf32>
      %add3A_78 = vector.broadcast %get3A_77 : vector<1x1xf32> to vector<64x1xf32>
      %add3A_79 = arith.addf %dot_general3A_74, %add3A_78 : vector<64x1xf32>
      %swap3A_80 = arith.constant 0 : index
      %swap3A_81 = arith.constant 0 : index
      %swap3A_82 = vector.load %arg12[%swap3A_80, %swap3A_81] : memref<64x1xf32, #tpu.memory_space<vmem>>, vector<64x1xf32>
      tpu.vector_store %arg12[%swap3A_80, %swap3A_81], %add3A_79 {strides = array<i32>} : memref<64x1xf32, #tpu.memory_space<vmem>>, vector<64x1xf32>,
    } else {
    }
    return
  }
  func.func @transform_0(%arg0: i32) -> (i32, i32) {
    %c0_i32 = arith.constant 0 : i32
    %c0_i32_0 = arith.constant 0 : i32
    return %arg0, %c0_i32 : i32, i32
  }
  func.func @transform_1(%arg0: i32) -> (i32, i32) {
    %add3A = arith.constant 8 : i32
    %add3A_0 = arith.addi %add3A, %arg0 : i32
    %c0_i32 = arith.constant 0 : i32
    %c0_i32_1 = arith.constant 0 : i32
    return %add3A_0, %c0_i32 : i32, i32
  }
  func.func @transform_2(%arg0: i32) -> (i32, i32) {
    %c0_i32 = arith.constant 0 : i32
    %c0_i32_0 = arith.constant 0 : i32
    return %arg0, %c0_i32 : i32, i32
  }
  func.func @transform_3(%arg0: i32) -> (i32, i32) {
    %c0_i32 = arith.constant 0 : i32
    %c0_i32_0 = arith.constant 0 : i32
    return %arg0, %c0_i32 : i32, i32
  }
  func.func @transform_4(%arg0: i32) -> (i32, i32) {
    %add3A = arith.constant 8 : i32
    %add3A_0 = arith.addi %add3A, %arg0 : i32
    %c0_i32 = arith.constant 0 : i32
    %c0_i32_1 = arith.constant 0 : i32
    return %add3A_0, %c0_i32 : i32, i32
  }
  func.func @transform_5(%arg0: i32) -> (i32, i32, i32) {
    %c0_i32 = arith.constant 0 : i32
    %c0_i32_0 = arith.constant 0 : i32
    %c0_i32_1 = arith.constant 0 : i32
    return %arg0, %c0_i32, %c0_i32_0 : i32, i32, i32
  }
  func.func @transform_6(%arg0: i32) -> (i32, i32) {
    %c0_i32 = arith.constant 0 : i32
    %c0_i32_0 = arith.constant 0 : i32
    %c0_i32_1 = arith.constant 0 : i32
    return %c0_i32, %c0_i32_0 : i32, i32
  }
  func.func @transform_7(%arg0: i32) -> (i32, i32) {
    %c0_i32 = arith.constant 0 : i32
    %c0_i32_0 = arith.constant 0 : i32
    %c0_i32_1 = arith.constant 0 : i32
    return %c0_i32, %c0_i32_0 : i32, i32
  }
  func.func @transform_8(%arg0: i32) -> (i32, i32) {
    %c0_i32 = arith.constant 0 : i32
    %c0_i32_0 = arith.constant 0 : i32
    %c0_i32_1 = arith.constant 0 : i32
    return %c0_i32, %c0_i32_0 : i32, i32
  }
  func.func @transform_9(%arg0: i32) -> (i32, i32) {
    %c0_i32 = arith.constant 0 : i32
    %c0_i32_0 = arith.constant 0 : i32
    %c0_i32_1 = arith.constant 0 : i32
    return %c0_i32, %c0_i32_0 : i32, i32
  }
  func.func @transform_10(%arg0: i32) -> (i32, i32) {
    %c0_i32 = arith.constant 0 : i32
    %c0_i32_0 = arith.constant 0 : i32
    %c0_i32_1 = arith.constant 0 : i32
    return %c0_i32, %c0_i32_0 : i32, i32
  }
  func.func @transform_11(%arg0: i32) -> (i32, i32) {
    %c0_i32 = arith.constant 0 : i32
    %c0_i32_0 = arith.constant 0 : i32
    %c0_i32_1 = arith.constant 0 : i32
    return %c0_i32, %c0_i32_0 : i32, i32
  }
}

</mosaic_0001>

<sc_bundles>
// kernel: kernel.6.cloned.1.call-start
scs
__scs_entry_jumppad:
0x0: {  	(pc) =	sbr.rel $0x88, $3  }
0x1: {  	(tag) =	ssettag $0x0;
	lr =	simm.s32 $0x1  }
0x2: {  	[smem:$0x3F98] =	sst lr;
	_ =	strace $0xD0000000  }
0x3: {  	_ = 	snop  }
0x4: {  	_ = 	snop  }
0x5: {  	_ = 	snop  }
0x6: {  	_ = 	snop  }
0x7: {  	_ = 	snop  }
__scs_overlays_trampoline_lowered:
0x8: {  	[smem:$0x3FA7] =	sst s0  }
0x9: {  	[smem:$0x3FA8] =	sst s1  }
0xa: {  	[smem:$0x3FA9] =	sst s2  }
0xb: {  	[smem:$0x3FAA] =	sst s3  }
0xc: {  	[smem:$0x3FAB] =	sst s4  }
0xd: {  	[smem:$0x3FAC] =	sst s5  }
0xe: {  	[smem:$0x3FAD] =	sst s6  }
0xf: {  	[smem:$0x3FAE] =	sst s7  }
0x10: {  	[smem:$0x3FAF] =	sst s8  }
0x11: {  	[smem:$0x3FB0] =	sst s9;
	s0 =	simm.s32 @!p0 $0x0  }
0x12: {  	s1 =	sld [smem:$0x3F96];
	s0 =	simm.s32 @p0 $0x1  }
0x13: {  	[smem:$0x3FB1] =	sst s0;
	s0 =	simm.s32 @!p1 $0x0  }
0x14: {  	s2 =	sld [smem:$0x3F95];
	s0 =	simm.s32 @p1 $0x1  }
0x15: {  	[smem:$0x3FB2] =	sst s0;
	s0 =	simm.s32 @!p2 $0x0  }
0x16: {  	s3 =	sld [smem:$0x3FDB];
	s0 =	simm.s32 @p2 $0x1  }
0x17: {  	s4 =	simm.s32 $0x1BF5;
	[smem:$0x3FB4] =	sst s0  }
0x18: {  	s0 =	sld [smem:$0x3F97];
	_ =	swait.ge [sflag:s4], $0x0  }
0x19: {  	s7 =	sld [smem:$0x3F98]  }
0x1a: {  	s8 =	sadd.s32 $0xFFFFE003, lr  }
0x1b: {  	s9 =	sadd.s32 $0xFFFFFEF7, lr;
	s5 =	simm.s32 $0xFFFFFFFF;
	p2 =	slt.u32 s8, $0xFFFFF086  }
0x1c: {  	p1 =	slt.u32 s9, $0xF7A;
	s5 =	simm.s32 @!p2 $0x0  }
0x1d: {  	s5 =	simm.s32 @p1 $0x1;
	p0 =	seq.s32 s7, s2  }
0x1e: {  	s7 =	smul.u32 @!p0 $0xF7A, s2;
	p2 =	seq.s32 @!p0 s5, $0x0  }
0x1f: {  	s9 =	smul.u32 $0xF7A, s1;
	s8 =	simm.s32 @!p0 $0x1BF5;
	p2 =	por !p2, p0  }
0x20: {  	[sflag:s8] =	ssyncset.s32 @!p0 $0xFFFFF086;
	s6 =	sadd.s32 @!p0 s3, s7;
	s7 =	simm.s32 @!p0 $0x108  }
0x21: {  	s3 =	sadd.s32 s3, s9;
	s6 =	sadd.s32 @!p0 $0x88, s6;
	s7 =	simm.s32 @p2 $0x1082  }
0x22: {  	[simem:s7], [sflag:s8] =	dma.local @!p0 [hbm:s6], $0xF7A  }
0x23: {  	s9 =	sor.u32 $0xD0000000, s2;
	s6 =	simm.s32 $0x108;
	_ =	swait.ge @!p0 [sflag:s8], $0x0  }
0x24: {  	s3 =	sadd.s32 $0x88, s3;
	s6 =	simm.s32 @!p1 $0x1082;
	[sflag:s4] =	ssyncset.s32 $0xFFFFF086  }
0x25: {  	[simem:s6], [sflag:s4] =	dma.local [hbm:s3], $0xF7A  }
0x26: {  	[smem:$0x3F98] =	sst s1;
	(tag) =	ssettag s2;
	_ =	strace s9  }
0x27: {  	s1 =	sld [smem:$0x3FA8]  }
0x28: {  	s2 =	sld [smem:$0x3FA9]  }
0x29: {  	s4 =	sld [smem:$0x3FAB]  }
0x2a: {  	p0 =	seq.s32 s5, $0x0;
	s5 =	sld [smem:$0x3FAC]  }
0x2b: {  	s6 =	sld [smem:$0x3FAD]  }
0x2c: {  	s7 =	sld [smem:$0x3FAE]  }
0x2d: {  	s3 =	simm.s32 $0x108;
	s8 =	sld [smem:$0x3FAF]  }
0x2e: {  	s3 =	simm.s32 @!p0 $0x1082;
	s9 =	sld [smem:$0x3FB0]  }
0x2f: {  	lr =	sadd.s32 s0, s3;
	s0 =	sld [smem:$0x3FA7]  }
0x30: {  	s3 =	sld [smem:$0x3FAA]  }
0x31: {  	[smem:$0x3FB3] =	sst s10  }
0x32: {  	s10 =	sld [smem:$0x3FB1];
	_ =	sdelay $0x3  }
0x33: {  	p0 =	seq.s32 s10, $0x1;
	s10 =	sld [smem:$0x3FB3];
	_ =	sdelay $0x3  }
0x34: {  	[smem:$0x3FB3] =	sst s10  }
0x35: {  	s10 =	sld [smem:$0x3FB2];
	_ =	sdelay $0x3  }
0x36: {  	p1 =	seq.s32 s10, $0x1;
	s10 =	sld [smem:$0x3FB3];
	_ =	sdelay $0x3  }
0x37: {  	[smem:$0x3FB3] =	sst s10  }
0x38: {  	s10 =	sld [smem:$0x3FB4]  }
0x39: {  	_ = 	snop;
	(pc) =	sbr.ind lr, $3  }
0x3a: {  	_ = 	snop  }
0x3b: {  	_ = 	snop  }
0x3c: {  	p2 =	seq.s32 s10, $0x1;
	s10 =	sld [smem:$0x3FB3]  }
0x3d: {  	_ =	shalt  }
0x3e: {  	_ =	shalt  }
0x3f: {  	_ =	shalt  }
0x40: {  	_ =	shalt  }
0x41: {  	_ =	shalt  }
0x42: {  	_ =	shalt  }
0x43: {  	_ =	shalt  }
0x44: {  	_ =	shalt  }
0x45: {  	_ =	shalt  }
0x46: {  	_ =	shalt  }
0x47: {  	_ =	shalt  }
0x48: {  	_ =	shalt  }
0x49: {  	_ =	shalt  }
0x4a: {  	_ =	shalt  }
0x4b: {  	_ =	shalt  }
0x4c: {  	_ =	shalt  }
0x4d: {  	_ =	shalt  }
0x4e: {  	_ =	shalt  }
0x4f: {  	_ =	shalt  }
0x50: {  	_ =	shalt  }
0x51: {  	_ =	shalt  }
0x52: {  	_ =	shalt  }
0x53: {  	_ =	shalt  }
0x54: {  	_ =	shalt  }
0x55: {  	_ =	shalt  }
0x56: {  	_ =	shalt  }
0x57: {  	_ =	shalt  }
0x58: {  	_ =	shalt  }
0x59: {  	_ =	shalt  }
0x5a: {  	_ =	shalt  }
0x5b: {  	_ =	shalt  }
0x5c: {  	_ =	shalt  }
0x5d: {  	_ =	shalt  }
0x5e: {  	_ =	shalt  }
0x5f: {  	_ =	shalt  }
0x60: {  	_ =	shalt  }
0x61: {  	_ =	shalt  }
0x62: {  	_ =	shalt  }
0x63: {  	_ =	shalt  }
0x64: {  	_ =	shalt  }
0x65: {  	_ =	shalt  }
0x66: {  	_ =	shalt  }
0x67: {  	_ =	shalt  }
0x68: {  	_ =	shalt  }
0x69: {  	_ =	shalt  }
0x6a: {  	_ =	shalt  }
0x6b: {  	_ =	shalt  }
0x6c: {  	_ =	shalt  }
0x6d: {  	_ =	shalt  }
0x6e: {  	_ =	shalt  }
0x6f: {  	_ =	shalt  }
0x70: {  	_ =	shalt  }
0x71: {  	_ =	shalt  }
0x72: {  	_ =	shalt  }
0x73: {  	_ =	shalt  }
0x74: {  	_ =	shalt  }
0x75: {  	_ =	shalt  }
0x76: {  	_ =	shalt  }
0x77: {  	_ =	shalt  }
0x78: {  	_ =	shalt  }
0x79: {  	_ =	shalt  }
0x7a: {  	_ =	shalt  }
0x7b: {  	_ =	shalt  }
0x7c: {  	_ =	shalt  }
0x7d: {  	_ =	shalt  }
0x7e: {  	_ =	shalt  }
0x7f: {  	_ =	shalt  }
0x80: {  	_ =	shalt  }
0x81: {  	_ =	shalt  }
0x82: {  	_ =	shalt  }
0x83: {  	_ =	shalt  }
0x84: {  	_ =	shalt  }
0x85: {  	_ =	shalt  }
0x86: {  	_ =	shalt  }
0x87: {  	_ =	shalt  }
.Lfunc_end0:
.L_simem_size_0:
called_computation_lowered:
.L_overlay_start_0:
0x88: {  	s2 =	sld [smem:$0x3FD9]  }
0x89: {  	s3 =	sld [smem:$0x3FFE];
	_ =	sdelay $0x1  }
0x8a: {  	s1 =	srdreg.scid  }
0x8b: {  	s0 =	sand.u32 $0x1, s1  }
0x8c: {  	s16 =	sshll.u32 s0, $0xA;
	s2 =	sadd.s32 s3, s2  }
0x8d: {  	s2 =	sadd.s32 s2, s16  }
0x8e: {  	[smem:$0x3FBF] =	sst s2  }
0x8f: {  	_ = 	snop  }
0x90: {  	(tm) =	ssettm $0x1  }
0x91: {  	s17 =	sld [smem:$0x3FFB];
	_ =	sdelay $0x3  }
0x92: {  	_ =	strace s17  }
0x93: {  	s2 =	sld [smem:$0x3FFC];
	_ =	sdelay $0x3  }
0x94: {  	_ =	strace s2  }
0x95: {  	s2 =	sld [smem:$0x3FFD];
	_ =	sdelay $0x3  }
0x96: {  	_ =	strace s2  }
0x97: {  	_ =	strace $0x8FFFFFFF  }
0x98: {  	s18 =	sld [smem:$0x3FDB];
	_ =	sdelay $0x1  }
0x99: {  	s19 =	simm.s32 $_scs_section_size  }
0x9a: {  	s4 =	simm.s32 $_size__tile_overlayer_lowered;
	s5 =	simm.s32 $_tile_overlayer_lowered  }
0x9b: {  	s22 =	simm.s32 $0x1BFF;
	s21 =	sshll.u32 s5, $0x1;
	s2 =	sadd.s32 s19, s18  }
0x9c: {  	s6 =	simm.s32 $0x0;
	s20 =	sshll.u32 s4, $0x1;
	s4 =	sadd.s32 s21, s2  }
0x9d: {  	[timem:s6], [sflag:s22] =	dma.local [hbm:s4], s20  }
0x9e: {  	_ =	swait.ge [sflag:s22], s20  }
0x9f: {  	s3 =	ssub.s32 $0x0, s20;
	[sflag:s22] =	ssyncset.done $0x0  }
0xa0: {  	[sflag:s22] =	ssyncadd.s32 s3;
	_ =	sdelay $0x1  }
0xa1: {  	s23 =	simm.s32 $0x1B8B  }
0xa2: {  	_ =	swait.ge [sflag:s23], $0x1  }
0xa3: {  	[sflag:s23] =	ssyncset.done $0x0  }
0xa4: {  	s25 =	simm.s32 $0x1B8E;
	s24 =	sld [smem:$0x3FFE];
	[sflag:s23] =	ssyncadd.s32 $0xFFFFFFFF  }
0xa5: {  	s26 =	simm.s32 $execute0_lowered;
	[smem:$0x3FD2] =	sst s25  }
0xa6: {  	s4 =	sshll.u32 s26, $0x1;
	_ =	strace $0x80000046;
	[dreg:$0x1] =	wrdreg $0xFFFFFFFF  }
0xa7: {  	s28 =	simm.s32 $_size_execute0_lowered;
	s2 =	sadd.s32 s2, s4;
	[dreg:$0x0] =	wrdreg $0x0  }
0xa8: {  	s4 =	sshll.u32 s28, $0x1;
	[dreg:$0x2] =	wrdreg s2  }
0xa9: {  	[dreg:$0x3] =	wrdreg s4  }
0xaa: {  	[dreg:$0x4] =	wrdreg $0xC0  }
0xab: {  	_ =	task [dreg:s6], $0x5FFFF  }
0xac: {  	[dreg:$0x1] =	wrdreg $0xFFFFFFFF  }
0xad: {  	[dreg:$0x0] =	wrdreg $0x60  }
0xae: {  	[dreg:$0x2] =	wrdreg s24  }
0xaf: {  	[dreg:$0x3] =	wrdreg $0xC000  }
0xb0: {  	[dreg:$0x4] =	wrdreg $0x9  }
0xb1: {  	_ =	task.clear_ibuf [dreg:s6], $0x5FFFF;
	_ =	strace $0x90000046  }
0xb2: {  	s29 =	simm.s32 $0x9;
	_ =	strace $0x80000048  }
0xb3: {  	_ =	swait.ge [sflag:s29], $0x1  }
0xb4: {  	[sflag:s29] =	ssyncadd.s32 $0xFFFFFFFF  }
0xb5: {  	_ =	strace $0x90000048  }
0xb6: {  	_ =	sfence  }
0xb7: {  	s30 =	sld [smem:$0x0];
	_ =	sdelay $0x2  }
0xb8: {  	s31 =	sshll.u32 s1, $0xD;
	s1 =	sshrl.u32 s1, $0x2  }
0xb9: {  	s3 =	sand.u32 $0x4000, s31;
	s1 =	sadd.s32 s1, s30  }
0xba: {  	s0 =	sor.u32 s3, s0;
	s1 =	sshll.u32 s1, $0x11  }
0xbb: {  	s0 =	sor.u32 s1, s0  }
0xbc: {  	s0 =	sadd.s32 $0x8F2B, s0  }
0xbd: {  	[sflag:s0] =	ssyncadd.remote.s32 $0x1  }
0xbe: {  	_ =	sfence.sel $0xFFFF  }
0xbf: {  	[dreg:$0x0] =	wrdreg $0xFFFFFFFF;
	(pc) =	sbr.abs _section_cstart, $3  }
0xc0: {  	[dreg:$0x1] =	wrdreg $0xFFFFFFFF  }
0xc1: {  	_ =	task.clear_ibuf [dreg:s6], $0x2FFFF;
	_ =	strace $0x9FFFFFFF  }
0xc2: {  	(tm) =	ssettm $0x7FFFFFFF  }
0xc3: {  	_ =	shalt  }
tec
execute0_lowered:
.L_overlay_start_1:
0x0: {  	(tag) =	ssettag $0x1  }
0x1: {  	s1 =	srdreg.scid  }
0x2: {  	s0 =	stileid.u32;
	s5 =	rddreg [dreg:$0x0]  }
0x3: {  	s2 =	rddreg [dreg:$0x1];
	s3 =	simm.s32 $0x0;
	s12 =	simm.s32 $0x400  }
0x4: {  	s13 =	simm.s32 $0x80;
	s14 =	simm.s32 $0x100;
	s15 =	simm.s32 $0x180  }
0x5: {  	s16 =	simm.s32 $0x200;
	s17 =	simm.s32 $0x280;
	s18 =	simm.s32 $0x300  }
0x6: {  	s19 =	simm.s32 $0x380;
	s20 =	simm.s32 $0x0;
	s6 =	smul.u32 $0x2800, s0  }
0x7: {  	s4 =	sand.u32 $0x1, s1;
	s1 =	rddreg [dreg:$0x2];
	s8 =	smul.u32 $0x500, s0  }
0x8: {  	[smem:$0x7FF] =	sst s3;
	s31 =	sshll.u32 s0, $0x6;
	s7 =	smul.u32 $0x28000, s4  }
0x9: {  	_ =	strace $0x80000047;
	s9 =	smul.u32 $0x5000, s4;
	s11 =	ssub.s32 $0x2, s4  }
0xa: {  	s4 =	sadd.s32 $0x10A00, s5;
	s28 =	sshrl.u32 s6, $0x3;
	s29 =	sshrl.u32 s11, $0x1  }
0xb: {  	s30 =	sadd.s32 s6, s2;
	s7 =	sadd.s32 s6, s7;
	s8 =	sadd.s32 s8, s9  }
0xc: {  	s9 =	ssub.s32 s11, s29;
	s6 =	sor.u32 $0x1C01, s31;
	s7 =	sshrl.u32 s7, $0x3  }
0xd: {  	s8 =	sadd.s32 s8, s5;
	s10 =	sadd.s32 s7, s5;
	s7 =	sadd.s32 s28, s5  }
0xe: {  	s11 =	simm.s32 $0x1;
	s5 =	sadd.s32 $0xBA00, s7;
	s7 =	sadd.s32 $0x10C00, s8  }
0xf: {  	s8 =	smax.u32 s9, $0x1;
	s9 =	sadd.s32 $0x1A00, s10;
	s10 =	sshrl.u32 s30, $0x3  }
.LBB2_1:
0x10: {  	[spmem:s10], [sflag:s6] =	dma.local [hbm:s5], $0x500  }
0x11: {  	_ =	swait.ge [sflag:s11], $0x500  }
0x12: {  	[sflag:s11] =	ssyncset.done $0x0  }
0x13: {  	[sflag:s11] =	ssyncadd.s32 $0xFFFFFB00  }
0x14: {  	[tilespmem:s12], [sflag:$0x1] =	stream.linear.gather [hbm4b:s4+s3], $0x800, $0x38;
	[tilespmem:$0x3400] =	vst v63  }
0x15: {  	_ =	swait.ge [sflag:s11], $0x800  }
0x16: {  	[sflag:s11] =	ssyncset.done $0x0  }
0x17: {  	[sflag:s11] =	ssyncadd.s32 $0xFFFFF800  }
0x18: {  	s21 =	sadd.s32 $0x0, s9;
	[bflag:$0x0] =	sbarrier.arrive $0xFFFF  }
0x19: {  	[tilespmem:s3], [sflag:$0x1] =	stream.linear.gather [hbm4b:s21+s3], $0x400, $0x38;
	[tilespmem:$0x3400] =	vst v63  }
0x1a: {  	_ =	swait.ge [sflag:s11], $0x400  }
0x1b: {  	[sflag:s11] =	ssyncset.done $0x0  }
0x1c: {  	[sflag:s11] =	ssyncadd.s32 $0xFFFFFC00  }
0x1d: {  	[spmem:s2] =	stream.indirect.scatter.add.f32 [tilespmem:s12], [sflag:$0x1], $0x10, s3, s13, $0xb8;
	[tilespmem:$0x3400] =	vst v63  }
0x1e: {  	_ =	swait.ge [sflag:s11], $0x800  }
0x1f: {  	[sflag:s11] =	ssyncset.done $0x0  }
0x20: {  	[sflag:s11] =	ssyncadd.s32 $0xFFFFF800  }
0x21: {  	[spmem:s2] =	stream.indirect.scatter.add.f32 [tilespmem:s12], [sflag:$0x1], $0x10, s13, s13, $0xb8;
	[tilespmem:$0x3400] =	vst v63  }
0x22: {  	_ =	swait.ge [sflag:s11], $0x800  }
0x23: {  	[sflag:s11] =	ssyncset.done $0x0  }
0x24: {  	[sflag:s11] =	ssyncadd.s32 $0xFFFFF800  }
0x25: {  	[spmem:s2] =	stream.indirect.scatter.add.f32 [tilespmem:s12], [sflag:$0x1], $0x10, s14, s13, $0xb8;
	[tilespmem:$0x3400] =	vst v63  }
0x26: {  	_ =	swait.ge [sflag:s11], $0x800  }
0x27: {  	[sflag:s11] =	ssyncset.done $0x0  }
0x28: {  	[sflag:s11] =	ssyncadd.s32 $0xFFFFF800  }
0x29: {  	[spmem:s2] =	stream.indirect.scatter.add.f32 [tilespmem:s12], [sflag:$0x1], $0x10, s15, s13, $0xb8;
	[tilespmem:$0x3400] =	vst v63  }
0x2a: {  	_ =	swait.ge [sflag:s11], $0x800  }
0x2b: {  	[sflag:s11] =	ssyncset.done $0x0  }
0x2c: {  	[sflag:s11] =	ssyncadd.s32 $0xFFFFF800  }
0x2d: {  	[spmem:s2] =	stream.indirect.scatter.add.f32 [tilespmem:s12], [sflag:$0x1], $0x10, s16, s13, $0xb8;
	[tilespmem:$0x3400] =	vst v63  }
0x2e: {  	_ =	swait.ge [sflag:s11], $0x800  }
0x2f: {  	[sflag:s11] =	ssyncset.done $0x0  }
0x30: {  	[sflag:s11] =	ssyncadd.s32 $0xFFFFF800  }
0x31: {  	[spmem:s2] =	stream.indirect.scatter.add.f32 [tilespmem:s12], [sflag:$0x1], $0x10, s17, s13, $0xb8;
	[tilespmem:$0x3400] =	vst v63  }
0x32: {  	_ =	swait.ge [sflag:s11], $0x800  }
0x33: {  	[sflag:s11] =	ssyncset.done $0x0  }
0x34: {  	[sflag:s11] =	ssyncadd.s32 $0xFFFFF800  }
0x35: {  	[spmem:s2] =	stream.indirect.scatter.add.f32 [tilespmem:s12], [sflag:$0x1], $0x10, s18, s13, $0xb8;
	[tilespmem:$0x3400] =	vst v63  }
0x36: {  	_ =	swait.ge [sflag:s11], $0x800  }
0x37: {  	[sflag:s11] =	ssyncset.done $0x0  }
0x38: {  	[sflag:s11] =	ssyncadd.s32 $0xFFFFF800  }
0x39: {  	[spmem:s2] =	stream.indirect.scatter.add.f32 [tilespmem:s12], [sflag:$0x1], $0x10, s19, s13, $0xb8;
	[tilespmem:$0x3400] =	vst v63  }
0x3a: {  	_ =	swait.ge [sflag:s11], $0x800  }
0x3b: {  	s23 =	simm.s32 $0x100;
	s21 =	simm.s32 $0x80;
	[sflag:s11] =	ssyncset.done $0x0  }
.LBB2_2:
0x3c: {  	s24 =	sadd.s32 s21, s9  }
0x3d: {  	[sflag:s11] =	ssyncadd.s32 $0xFFFFF800;
	s21 =	smov.u32 s23;
	s22 =	sadd.s32 $0x80, s23  }
0x3e: {  	[tilespmem:s3], [sflag:$0x1] =	stream.linear.gather [hbm4b:s24+s3], $0x400, $0x38;
	[tilespmem:$0x3400] =	vst v63  }
0x3f: {  	p0 =	sne.s32 s23, $0x480;
	_ =	swait.ge [sflag:s11], $0x400  }
0x40: {  	[sflag:s11] =	ssyncset.done $0x0  }
0x41: {  	[sflag:s11] =	ssyncadd.s32 $0xFFFFFC00  }
0x42: {  	[spmem:s2] =	stream.indirect.scatter.add.f32 [tilespmem:s12], [sflag:$0x1], $0x10, s3, s13, $0xb8;
	[tilespmem:$0x3400] =	vst v63  }
0x43: {  	_ =	swait.ge [sflag:s11], $0x800  }
0x44: {  	[sflag:s11] =	ssyncset.done $0x0  }
0x45: {  	[sflag:s11] =	ssyncadd.s32 $0xFFFFF800  }
0x46: {  	[spmem:s2] =	stream.indirect.scatter.add.f32 [tilespmem:s12], [sflag:$0x1], $0x10, s13, s13, $0xb8;
	[tilespmem:$0x3400] =	vst v63  }
0x47: {  	_ =	swait.ge [sflag:s11], $0x800  }
0x48: {  	[sflag:s11] =	ssyncset.done $0x0  }
0x49: {  	[sflag:s11] =	ssyncadd.s32 $0xFFFFF800  }
0x4a: {  	[spmem:s2] =	stream.indirect.scatter.add.f32 [tilespmem:s12], [sflag:$0x1], $0x10, s14, s13, $0xb8;
	[tilespmem:$0x3400] =	vst v63  }
0x4b: {  	_ =	swait.ge [sflag:s11], $0x800  }
0x4c: {  	[sflag:s11] =	ssyncset.done $0x0  }
0x4d: {  	[sflag:s11] =	ssyncadd.s32 $0xFFFFF800  }
0x4e: {  	[spmem:s2] =	stream.indirect.scatter.add.f32 [tilespmem:s12], [sflag:$0x1], $0x10, s15, s13, $0xb8;
	[tilespmem:$0x3400] =	vst v63  }
0x4f: {  	_ =	swait.ge [sflag:s11], $0x800  }
0x50: {  	[sflag:s11] =	ssyncset.done $0x0  }
0x51: {  	[sflag:s11] =	ssyncadd.s32 $0xFFFFF800  }
0x52: {  	[spmem:s2] =	stream.indirect.scatter.add.f32 [tilespmem:s12], [sflag:$0x1], $0x10, s16, s13, $0xb8;
	[tilespmem:$0x3400] =	vst v63  }
0x53: {  	_ =	swait.ge [sflag:s11], $0x800  }
0x54: {  	[sflag:s11] =	ssyncset.done $0x0  }
0x55: {  	[sflag:s11] =	ssyncadd.s32 $0xFFFFF800  }
0x56: {  	[spmem:s2] =	stream.indirect.scatter.add.f32 [tilespmem:s12], [sflag:$0x1], $0x10, s17, s13, $0xb8;
	[tilespmem:$0x3400] =	vst v63  }
0x57: {  	_ =	swait.ge [sflag:s11], $0x800  }
0x58: {  	[sflag:s11] =	ssyncset.done $0x0  }
0x59: {  	[sflag:s11] =	ssyncadd.s32 $0xFFFFF800  }
0x5a: {  	[spmem:s2] =	stream.indirect.scatter.add.f32 [tilespmem:s12], [sflag:$0x1], $0x10, s18, s13, $0xb8;
	[tilespmem:$0x3400] =	vst v63  }
0x5b: {  	_ =	swait.ge [sflag:s11], $0x800  }
.Ltmp0:
0x5c: {  	[sflag:s11] =	ssyncset.done $0x0;
	(pc) =	sbr.rel @p0 .LBB2_2-.Ltmp0, $4  }
0x5d: {  	[sflag:s11] =	ssyncadd.s32 $0xFFFFF800  }
0x5e: {  	[spmem:s2] =	stream.indirect.scatter.add.f32 [tilespmem:s12], [sflag:$0x1], $0x10, s19, s13, $0xb8;
	[tilespmem:$0x3400] =	vst v63  }
0x5f: {  	_ =	swait.ge [sflag:s11], $0x800  }
0x60: {  	s23 =	smov.u32 s22;
	[sflag:s11] =	ssyncset.done $0x0  }
0x61: {  	s21 =	sadd.s32 s21, s9;
	[sflag:s11] =	ssyncadd.s32 $0xFFFFF800  }
0x62: {  	[tilespmem:s3], [sflag:$0x1] =	stream.linear.gather [hbm4b:s21+s3], $0x400, $0x38;
	[tilespmem:$0x3400] =	vst v63  }
0x63: {  	_ =	swait.ge [sflag:s11], $0x400  }
0x64: {  	[sflag:s11] =	ssyncset.done $0x0  }
0x65: {  	[sflag:s11] =	ssyncadd.s32 $0xFFFFFC00  }
0x66: {  	[spmem:s2] =	stream.indirect.scatter.add.f32 [tilespmem:s12], [sflag:$0x1], $0x10, s3, s13, $0xb8;
	[tilespmem:$0x3400] =	vst v63  }
0x67: {  	_ =	swait.ge [sflag:s11], $0x800  }
0x68: {  	[sflag:s11] =	ssyncset.done $0x0  }
0x69: {  	[sflag:s11] =	ssyncadd.s32 $0xFFFFF800  }
0x6a: {  	[spmem:s2] =	stream.indirect.scatter.add.f32 [tilespmem:s12], [sflag:$0x1], $0x10, s13, s13, $0xb8;
	[tilespmem:$0x3400] =	vst v63  }
0x6b: {  	_ =	swait.ge [sflag:s11], $0x800  }
0x6c: {  	[sflag:s11] =	ssyncset.done $0x0  }
0x6d: {  	[sflag:s11] =	ssyncadd.s32 $0xFFFFF800  }
0x6e: {  	[spmem:s2] =	stream.indirect.scatter.add.f32 [tilespmem:s12], [sflag:$0x1], $0x10, s14, s13, $0xb8;
	[tilespmem:$0x3400] =	vst v63  }
0x6f: {  	_ =	swait.ge [sflag:s11], $0x800  }
0x70: {  	[sflag:s11] =	ssyncset.done $0x0  }
0x71: {  	[sflag:s11] =	ssyncadd.s32 $0xFFFFF800  }
0x72: {  	[spmem:s2] =	stream.indirect.scatter.add.f32 [tilespmem:s12], [sflag:$0x1], $0x10, s15, s13, $0xb8;
	[tilespmem:$0x3400] =	vst v63  }
0x73: {  	_ =	swait.ge [sflag:s11], $0x800  }
0x74: {  	[sflag:s11] =	ssyncset.done $0x0  }
0x75: {  	[sflag:s11] =	ssyncadd.s32 $0xFFFFF800  }
0x76: {  	[spmem:s2] =	stream.indirect.scatter.add.f32 [tilespmem:s12], [sflag:$0x1], $0x10, s16, s13, $0xb8;
	[tilespmem:$0x3400] =	vst v63  }
0x77: {  	_ =	swait.ge [sflag:s11], $0x800  }
0x78: {  	[sflag:s11] =	ssyncset.done $0x0  }
0x79: {  	[sflag:s11] =	ssyncadd.s32 $0xFFFFF800  }
0x7a: {  	[spmem:s2] =	stream.indirect.scatter.add.f32 [tilespmem:s12], [sflag:$0x1], $0x10, s17, s13, $0xb8;
	[tilespmem:$0x3400] =	vst v63  }
0x7b: {  	_ =	swait.ge [sflag:s11], $0x800  }
0x7c: {  	[sflag:s11] =	ssyncset.done $0x0  }
0x7d: {  	[sflag:s11] =	ssyncadd.s32 $0xFFFFF800  }
0x7e: {  	[spmem:s2] =	stream.indirect.scatter.add.f32 [tilespmem:s12], [sflag:$0x1], $0x10, s18, s13, $0xb8;
	[tilespmem:$0x3400] =	vst v63  }
0x7f: {  	_ =	swait.ge [sflag:s11], $0x800  }
0x80: {  	[sflag:s11] =	ssyncset.done $0x0  }
0x81: {  	[sflag:s11] =	ssyncadd.s32 $0xFFFFF800  }
0x82: {  	[spmem:s2] =	stream.indirect.scatter.add.f32 [tilespmem:s12], [sflag:$0x1], $0x10, s19, s13, $0xb8;
	[tilespmem:$0x3400] =	vst v63  }
0x83: {  	_ =	swait.ge [sflag:s11], $0x800  }
0x84: {  	s20 =	sadd.s32 $0x1, s20;
	[sflag:s11] =	ssyncset.done $0x0  }
0x85: {  	p0 =	sne.s32 s20, s8;
	[sflag:s11] =	ssyncadd.s32 $0xFFFFF800  }
.Ltmp1:
0x86: {  	[bflag:$0x0] =	sbarrier.arrive $0xFFFF;
	(pc) =	sbr.rel @p0 .LBB2_1-.Ltmp1, $4  }
0x87: {  	[hbm:s7], [sflag:s6] =	dma.local [spmem:s10], $0x500  }
0x88: {  	_ =	swait.ge [sflag:s11], $0x500  }
0x89: {  	[sflag:s11] =	ssyncset.done $0x0  }
0x8a: {  	[sflag:s11] =	ssyncadd.s32 $0xFFFFFB00  }
0x8b: {  	_ =	sfence.sel $0x180000  }
0x8c: {  	[bflag:$0x0] =	sbarrier.arrive $0xFFFF  }
0x8d: {  	p0 =	sne.s32 s0, $0x0;
	_ =	strace $0x90000047  }
0x8e: {  	s0 =	sadd.s32 @!p0 $0x100000, s1;
	[bflag:$0x2] =	sbarrier.arrive $0xFFFF  }
0x8f: {  	[sflag:s0] =	ssyncadd.tile.s32 @!p0 $0x1;
	_ =	shalt  }
.Lfunc_end2:
_tile_overlayer_lowered:
.L_overlay_start_2:
0x90: {  	(tag) =	ssettag $0x2  }
0x91: {  	s0 =	rddreg [dreg:$0x0];
	s2 =	stileid.u32  }
0x92: {  	s1 =	rddreg [dreg:$0x1];
	p0 =	sne.s32 s2, $0x0  }
0x93: {  	s3 =	rddreg [dreg:$0x2];
	[bflag:$0x3] =	sbarrier.arrive $0xFFFF;
	s2 =	simm.s32 @!p0 $0x1C01  }
0x94: {  	[timem:s3], [sflag:s2] =	dma.local @!p0 [hbm:s0], s1  }
0x95: {  	s0 =	simm.s32 @!p0 $0x1  }
0x96: {  	_ =	swait.ge @!p0 [sflag:s0], s1  }
0x97: {  	s1 =	ssub.s32 @!p0 $0x0, s1;
	[sflag:s0] =	ssyncset.done @!p0 $0x0  }
0x98: {  	[sflag:s0] =	ssyncadd.s32 @!p0 s1  }
0x99: {  	[bflag:$0x3] =	sbarrier.arrive $0xFFFF  }
0x9a: {  	_ =	shalt  }

// kernel: kernel.9.cloned.1.call-start
scs
__scs_entry_jumppad:
0x0: {  	(pc) =	sbr.rel $0x88, $3  }
0x1: {  	(tag) =	ssettag $0x0;
	lr =	simm.s32 $0x1  }
0x2: {  	[smem:$0x3F98] =	sst lr;
	_ =	strace $0xD0000000  }
0x3: {  	_ = 	snop  }
0x4: {  	_ = 	snop  }
0x5: {  	_ = 	snop  }
0x6: {  	_ = 	snop  }
0x7: {  	_ = 	snop  }
__scs_overlays_trampoline_lowered:
0x8: {  	[smem:$0x3FA7] =	sst s0  }
0x9: {  	[smem:$0x3FA8] =	sst s1  }
0xa: {  	[smem:$0x3FA9] =	sst s2  }
0xb: {  	[smem:$0x3FAA] =	sst s3  }
0xc: {  	[smem:$0x3FAB] =	sst s4  }
0xd: {  	[smem:$0x3FAC] =	sst s5  }
0xe: {  	[smem:$0x3FAD] =	sst s6  }
0xf: {  	[smem:$0x3FAE] =	sst s7  }
0x10: {  	[smem:$0x3FAF] =	sst s8  }
0x11: {  	[smem:$0x3FB0] =	sst s9;
	s0 =	simm.s32 @!p0 $0x0  }
0x12: {  	s1 =	sld [smem:$0x3F96];
	s0 =	simm.s32 @p0 $0x1  }
0x13: {  	[smem:$0x3FB1] =	sst s0;
	s0 =	simm.s32 @!p1 $0x0  }
0x14: {  	s2 =	sld [smem:$0x3F95];
	s0 =	simm.s32 @p1 $0x1  }
0x15: {  	[smem:$0x3FB2] =	sst s0;
	s0 =	simm.s32 @!p2 $0x0  }
0x16: {  	s3 =	sld [smem:$0x3FDB];
	s0 =	simm.s32 @p2 $0x1  }
0x17: {  	s4 =	simm.s32 $0x1BF5;
	[smem:$0x3FB4] =	sst s0  }
0x18: {  	s0 =	sld [smem:$0x3F97];
	_ =	swait.ge [sflag:s4], $0x0  }
0x19: {  	s7 =	sld [smem:$0x3F98]  }
0x1a: {  	s8 =	sadd.s32 $0xFFFFE003, lr  }
0x1b: {  	s9 =	sadd.s32 $0xFFFFFEF7, lr;
	s5 =	simm.s32 $0xFFFFFFFF;
	p2 =	slt.u32 s8, $0xFFFFF086  }
0x1c: {  	p1 =	slt.u32 s9, $0xF7A;
	s5 =	simm.s32 @!p2 $0x0  }
0x1d: {  	s5 =	simm.s32 @p1 $0x1;
	p0 =	seq.s32 s7, s2  }
0x1e: {  	s7 =	smul.u32 @!p0 $0xF7A, s2;
	p2 =	seq.s32 @!p0 s5, $0x0  }
0x1f: {  	s9 =	smul.u32 $0xF7A, s1;
	s8 =	simm.s32 @!p0 $0x1BF5;
	p2 =	por !p2, p0  }
0x20: {  	[sflag:s8] =	ssyncset.s32 @!p0 $0xFFFFF086;
	s6 =	sadd.s32 @!p0 s3, s7;
	s7 =	simm.s32 @!p0 $0x108  }
0x21: {  	s3 =	sadd.s32 s3, s9;
	s6 =	sadd.s32 @!p0 $0x88, s6;
	s7 =	simm.s32 @p2 $0x1082  }
0x22: {  	[simem:s7], [sflag:s8] =	dma.local @!p0 [hbm:s6], $0xF7A  }
0x23: {  	s9 =	sor.u32 $0xD0000000, s2;
	s6 =	simm.s32 $0x108;
	_ =	swait.ge @!p0 [sflag:s8], $0x0  }
0x24: {  	s3 =	sadd.s32 $0x88, s3;
	s6 =	simm.s32 @!p1 $0x1082;
	[sflag:s4] =	ssyncset.s32 $0xFFFFF086  }
0x25: {  	[simem:s6], [sflag:s4] =	dma.local [hbm:s3], $0xF7A  }
0x26: {  	[smem:$0x3F98] =	sst s1;
	(tag) =	ssettag s2;
	_ =	strace s9  }
0x27: {  	s1 =	sld [smem:$0x3FA8]  }
0x28: {  	s2 =	sld [smem:$0x3FA9]  }
0x29: {  	s4 =	sld [smem:$0x3FAB]  }
0x2a: {  	p0 =	seq.s32 s5, $0x0;
	s5 =	sld [smem:$0x3FAC]  }
0x2b: {  	s6 =	sld [smem:$0x3FAD]  }
0x2c: {  	s7 =	sld [smem:$0x3FAE]  }
0x2d: {  	s3 =	simm.s32 $0x108;
	s8 =	sld [smem:$0x3FAF]  }
0x2e: {  	s3 =	simm.s32 @!p0 $0x1082;
	s9 =	sld [smem:$0x3FB0]  }
0x2f: {  	lr =	sadd.s32 s0, s3;
	s0 =	sld [smem:$0x3FA7]  }
0x30: {  	s3 =	sld [smem:$0x3FAA]  }
0x31: {  	[smem:$0x3FB3] =	sst s10  }
0x32: {  	s10 =	sld [smem:$0x3FB1];
	_ =	sdelay $0x3  }
0x33: {  	p0 =	seq.s32 s10, $0x1;
	s10 =	sld [smem:$0x3FB3];
	_ =	sdelay $0x3  }
0x34: {  	[smem:$0x3FB3] =	sst s10  }
0x35: {  	s10 =	sld [smem:$0x3FB2];
	_ =	sdelay $0x3  }
0x36: {  	p1 =	seq.s32 s10, $0x1;
	s10 =	sld [smem:$0x3FB3];
	_ =	sdelay $0x3  }
0x37: {  	[smem:$0x3FB3] =	sst s10  }
0x38: {  	s10 =	sld [smem:$0x3FB4]  }
0x39: {  	_ = 	snop;
	(pc) =	sbr.ind lr, $3  }
0x3a: {  	_ = 	snop  }
0x3b: {  	_ = 	snop  }
0x3c: {  	p2 =	seq.s32 s10, $0x1;
	s10 =	sld [smem:$0x3FB3]  }
0x3d: {  	_ =	shalt  }
0x3e: {  	_ =	shalt  }
0x3f: {  	_ =	shalt  }
0x40: {  	_ =	shalt  }
0x41: {  	_ =	shalt  }
0x42: {  	_ =	shalt  }
0x43: {  	_ =	shalt  }
0x44: {  	_ =	shalt  }
0x45: {  	_ =	shalt  }
0x46: {  	_ =	shalt  }
0x47: {  	_ =	shalt  }
0x48: {  	_ =	shalt  }
0x49: {  	_ =	shalt  }
0x4a: {  	_ =	shalt  }
0x4b: {  	_ =	shalt  }
0x4c: {  	_ =	shalt  }
0x4d: {  	_ =	shalt  }
0x4e: {  	_ =	shalt  }
0x4f: {  	_ =	shalt  }
0x50: {  	_ =	shalt  }
0x51: {  	_ =	shalt  }
0x52: {  	_ =	shalt  }
0x53: {  	_ =	shalt  }
0x54: {  	_ =	shalt  }
0x55: {  	_ =	shalt  }
0x56: {  	_ =	shalt  }
0x57: {  	_ =	shalt  }
0x58: {  	_ =	shalt  }
0x59: {  	_ =	shalt  }
0x5a: {  	_ =	shalt  }
0x5b: {  	_ =	shalt  }
0x5c: {  	_ =	shalt  }
0x5d: {  	_ =	shalt  }
0x5e: {  	_ =	shalt  }
0x5f: {  	_ =	shalt  }
0x60: {  	_ =	shalt  }
0x61: {  	_ =	shalt  }
0x62: {  	_ =	shalt  }
0x63: {  	_ =	shalt  }
0x64: {  	_ =	shalt  }
0x65: {  	_ =	shalt  }
0x66: {  	_ =	shalt  }
0x67: {  	_ =	shalt  }
0x68: {  	_ =	shalt  }
0x69: {  	_ =	shalt  }
0x6a: {  	_ =	shalt  }
0x6b: {  	_ =	shalt  }
0x6c: {  	_ =	shalt  }
0x6d: {  	_ =	shalt  }
0x6e: {  	_ =	shalt  }
0x6f: {  	_ =	shalt  }
0x70: {  	_ =	shalt  }
0x71: {  	_ =	shalt  }
0x72: {  	_ =	shalt  }
0x73: {  	_ =	shalt  }
0x74: {  	_ =	shalt  }
0x75: {  	_ =	shalt  }
0x76: {  	_ =	shalt  }
0x77: {  	_ =	shalt  }
0x78: {  	_ =	shalt  }
0x79: {  	_ =	shalt  }
0x7a: {  	_ =	shalt  }
0x7b: {  	_ =	shalt  }
0x7c: {  	_ =	shalt  }
0x7d: {  	_ =	shalt  }
0x7e: {  	_ =	shalt  }
0x7f: {  	_ =	shalt  }
0x80: {  	_ =	shalt  }
0x81: {  	_ =	shalt  }
0x82: {  	_ =	shalt  }
0x83: {  	_ =	shalt  }
0x84: {  	_ =	shalt  }
0x85: {  	_ =	shalt  }
0x86: {  	_ =	shalt  }
0x87: {  	_ =	shalt  }
.Lfunc_end0:
.L_simem_size_0:
called_computation.1_lowered:
.L_overlay_start_0:
0x88: {  	s2 =	sld [smem:$0x3FD9]  }
0x89: {  	s3 =	sld [smem:$0x3FFE];
	_ =	sdelay $0x1  }
0x8a: {  	s1 =	srdreg.scid  }
0x8b: {  	s0 =	sand.u32 $0x1, s1  }
0x8c: {  	s16 =	sshll.u32 s0, $0xA;
	s2 =	sadd.s32 s3, s2  }
0x8d: {  	s2 =	sadd.s32 s2, s16  }
0x8e: {  	[smem:$0x3FBF] =	sst s2  }
0x8f: {  	_ = 	snop  }
0x90: {  	(tm) =	ssettm $0x1  }
0x91: {  	s17 =	sld [smem:$0x3FFB];
	_ =	sdelay $0x3  }
0x92: {  	_ =	strace s17  }
0x93: {  	s2 =	sld [smem:$0x3FFC];
	_ =	sdelay $0x3  }
0x94: {  	_ =	strace s2  }
0x95: {  	s2 =	sld [smem:$0x3FFD];
	_ =	sdelay $0x3  }
0x96: {  	_ =	strace s2  }
0x97: {  	_ =	strace $0x8FFFFFFF  }
0x98: {  	s18 =	sld [smem:$0x3FDB];
	_ =	sdelay $0x1  }
0x99: {  	s19 =	simm.s32 $_scs_section_size  }
0x9a: {  	s4 =	simm.s32 $_size__tile_overlayer_lowered;
	s5 =	simm.s32 $_tile_overlayer_lowered  }
0x9b: {  	s22 =	simm.s32 $0x1BFF;
	s21 =	sshll.u32 s5, $0x1;
	s2 =	sadd.s32 s19, s18  }
0x9c: {  	s6 =	simm.s32 $0x0;
	s20 =	sshll.u32 s4, $0x1;
	s4 =	sadd.s32 s21, s2  }
0x9d: {  	[timem:s6], [sflag:s22] =	dma.local [hbm:s4], s20  }
0x9e: {  	_ =	swait.ge [sflag:s22], s20  }
0x9f: {  	s3 =	ssub.s32 $0x0, s20;
	[sflag:s22] =	ssyncset.done $0x0  }
0xa0: {  	[sflag:s22] =	ssyncadd.s32 s3;
	_ =	sdelay $0x1  }
0xa1: {  	s23 =	simm.s32 $0x1B8B  }
0xa2: {  	_ =	swait.ge [sflag:s23], $0x1  }
0xa3: {  	[sflag:s23] =	ssyncset.done $0x0  }
0xa4: {  	s25 =	simm.s32 $0x1B8E;
	s24 =	sld [smem:$0x3FFE];
	[sflag:s23] =	ssyncadd.s32 $0xFFFFFFFF  }
0xa5: {  	s26 =	simm.s32 $execute0_lowered;
	[smem:$0x3FD2] =	sst s25  }
0xa6: {  	s4 =	sshll.u32 s26, $0x1;
	_ =	strace $0x80000049;
	[dreg:$0x1] =	wrdreg $0xFFFFFFFF  }
0xa7: {  	s28 =	simm.s32 $_size_execute0_lowered;
	s2 =	sadd.s32 s2, s4;
	[dreg:$0x0] =	wrdreg $0x0  }
0xa8: {  	s4 =	sshll.u32 s28, $0x1;
	[dreg:$0x2] =	wrdreg s2  }
0xa9: {  	[dreg:$0x3] =	wrdreg s4  }
0xaa: {  	[dreg:$0x4] =	wrdreg $0xC0  }
0xab: {  	_ =	task [dreg:s6], $0x5FFFF  }
0xac: {  	[dreg:$0x1] =	wrdreg $0xFFFFFFFF  }
0xad: {  	[dreg:$0x0] =	wrdreg $0x60  }
0xae: {  	[dreg:$0x2] =	wrdreg s24  }
0xaf: {  	[dreg:$0x3] =	wrdreg $0x108000  }
0xb0: {  	[dreg:$0x4] =	wrdreg $0x9  }
0xb1: {  	_ =	task.clear_ibuf [dreg:s6], $0x5FFFF;
	_ =	strace $0x90000049  }
0xb2: {  	s29 =	simm.s32 $0x9;
	_ =	strace $0x8000004B  }
0xb3: {  	_ =	swait.ge [sflag:s29], $0x1  }
0xb4: {  	[sflag:s29] =	ssyncadd.s32 $0xFFFFFFFF  }
0xb5: {  	_ =	strace $0x9000004B  }
0xb6: {  	_ =	sfence  }
0xb7: {  	s30 =	sld [smem:$0x0];
	_ =	sdelay $0x2  }
0xb8: {  	s31 =	sshll.u32 s1, $0xD;
	s1 =	sshrl.u32 s1, $0x2  }
0xb9: {  	s3 =	sand.u32 $0x4000, s31;
	s1 =	sadd.s32 s1, s30  }
0xba: {  	s0 =	sor.u32 s3, s0;
	s1 =	sshll.u32 s1, $0x11  }
0xbb: {  	s0 =	sor.u32 s1, s0  }
0xbc: {  	s0 =	sadd.s32 $0x8F2B, s0  }
0xbd: {  	[sflag:s0] =	ssyncadd.remote.s32 $0x1  }
0xbe: {  	_ =	sfence.sel $0xFFFF  }
0xbf: {  	[dreg:$0x0] =	wrdreg $0xFFFFFFFF;
	(pc) =	sbr.abs _section_cstart, $3  }
0xc0: {  	[dreg:$0x1] =	wrdreg $0xFFFFFFFF  }
0xc1: {  	_ =	task.clear_ibuf [dreg:s6], $0x2FFFF;
	_ =	strace $0x9FFFFFFF  }
0xc2: {  	(tm) =	ssettm $0x7FFFFFFF  }
0xc3: {  	_ =	shalt  }
tec
execute0_lowered:
.L_overlay_start_1:
0x0: {  	(tag) =	ssettag $0x1  }
0x1: {  	s0 =	rddreg [dreg:$0x0]  }
0x2: {  	s2 =	rddreg [dreg:$0x1];
	s3 =	simm.s32 $0x0;
	s13 =	stileid.u32  }
0x3: {  	s5 =	srdreg.scid;
	s17 =	simm.s32 $0x5;
	s28 =	simm.s32 $0x600  }
0x4: {  	s29 =	simm.s32 $0x8800;
	s31 =	simm.s32 $0xA800;
	s14 =	simm.s32 $0x3  }
0x5: {  	s15 =	simm.s32 $0x2;
	s16 =	simm.s32 $0x780;
	[smem:$0x7FF] =	sst s3  }
0x6: {  	s1 =	smul.u32 $0xA000, s13;
	s4 =	sadd.s32 $0x9CC00, s0;
	s5 =	sand.u32 $0x1, s5  }
0x7: {  	s6 =	smul.u32 $0x1400, s13;
	s9 =	sadd.s32 $0x1AC00, s0;
	s10 =	sadd.s32 $0x1A00, s0  }
0x8: {  	s12 =	smul.u32 $0x28, s13;
	s20 =	sshll.u32 s13, $0x6;
	_ =	strace $0x8000004A  }
0x9: {  	s8 =	smul.u32 $0x14000, s5;
	s11 =	ssub.s32 $0x2, s5;
	p0 =	seq.s32 s5, $0x0  }
0xa: {  	s7 =	sshrl.u32 s1, $0x3;
	s18 =	sshrl.u32 s11, $0x1;
	s5 =	sadd.s32 $0x780, s12  }
0xb: {  	s1 =	sadd.s32 s1, s2;
	s12 =	sor.u32 $0x1C05, s20;
	s20 =	simm.s32 $0x800  }
0xc: {  	s7 =	sadd.s32 s7, s0;
	s6 =	sadd.s32 s6, s8;
	s19 =	ssub.s32 s11, s18  }
0xd: {  	s8 =	smul.u32 $0x78, s13;
	s11 =	simm.s32 $0xF;
	s18 =	simm.s32 $0x400  }
0xe: {  	s13 =	simm.s32 $0x180;
	[dreg:$0x5] =	wrdreg s12;
	s0 =	sadd.s32 s6, s0  }
0xf: {  	s11 =	simm.s32 @!p0 $0x5;
	s7 =	sadd.s32 $0xB0C00, s7;
	s21 =	smax.u32 s19, $0x1  }
0x10: {  	s19 =	simm.s32 $0x80;
	s6 =	simm.s32 $0x0;
	[dreg:$0x4] =	wrdreg s7  }
0x11: {  	s5 =	smov.u32 @p0 s8;
	s0 =	sadd.s32 $0xC4C00, s0;
	[dreg:$0x7] =	wrdreg s21  }
0x12: {  	s24 =	sshll.u32 s11, $0x7;
	s30 =	sadd.s32 $0xFFFFFFFE, s11;
	s21 =	simm.s32 $0x2800  }
0x13: {  	s11 =	simm.s32 $0x100;
	s5 =	sshll.u32 s5, $0x4;
	[dreg:$0x6] =	wrdreg s0  }
0x14: {  	s26 =	sadd.s32 $0xFFFFFF00, s24;
	[dreg:$0xc] =	wrdreg s30;
	s24 =	simm.s32 $0x4  }
0x15: {  	s7 =	sadd.s32 s9, s5;
	s8 =	sadd.s32 s10, s5;
	s22 =	sor.u32 $0x40, s5  }
0x16: {  	s5 =	sadd.s32 $0x80, s5;
	[dreg:$0x3] =	wrdreg s26;
	s23 =	sadd.s32 s9, s22  }
0x17: {  	s26 =	simm.s32 $0x200;
	s0 =	sadd.s32 s10, s22;
	[dreg:$0x8] =	wrdreg s23  }
0x18: {  	s25 =	sadd.s32 s9, s5;
	s5 =	sadd.s32 s10, s5;
	[dreg:$0x9] =	wrdreg s0  }
0x19: {  	s9 =	simm.s32 $0xE800;
	s10 =	simm.s32 $0x1;
	[dreg:$0xa] =	wrdreg s25  }
0x1a: {  	[dreg:$0xb] =	wrdreg s5;
	s5 =	sshrl.u32 s1, $0x3;
	s23 =	simm.s32 $0x4800  }
0x1b: {  	s25 =	simm.s32 $0x6800;
	s1 =	simm.s32 $0xC800;
	[dreg:$0xd] =	wrdreg s5  }
.LBB2_1:
0x1c: {  	[dreg:$0xe] =	wrdreg s6  }
0x1d: {  	s0 =	rddreg [dreg:$0x4]  }
0x1e: {  	[spmem:s5], [sflag:s12] =	dma.local [hbm:s0], $0x1400  }
0x1f: {  	_ =	swait.ge [sflag:s17], $0x1400  }
0x20: {  	[sflag:s17] =	ssyncset.done $0x0  }
0x21: {  	[sflag:s17] =	ssyncadd.s32 $0xFFFFEC00  }
0x22: {  	[bflag:$0x0] =	sbarrier.arrive $0xFFFF  }
0x23: {  	[tilespmem:s3], [sflag:$0x5] =	stream.linear.gather [hbm4b:s7+s3], $0x200, $0x38;
	[tilespmem:$0x1A800] =	vst v63  }
0x24: {  	_ =	swait.ge [sflag:s17], $0x200  }
0x25: {  	[sflag:s17] =	ssyncset.done $0x0  }
0x26: {  	[sflag:s17] =	ssyncadd.s32 $0xFFFFFE00  }
0x27: {  	[tilespmem:s18], [sflag:$0x5] =	stream.linear.gather [hbm4b:s8+s3], $0x200, $0x38;
	[tilespmem:$0x1A800] =	vst v63  }
0x28: {  	_ =	swait.ge [sflag:s17], $0x200  }
0x29: {  	[sflag:s17] =	ssyncset.done $0x0  }
0x2a: {  	[sflag:s17] =	ssyncadd.s32 $0xFFFFFE00  }
0x2b: {  	[tilespmem:s20], [sflag:$0x1] =	stream.indirect.gather [hbm4b:s4+s19], $0x40, s3, s19, $0xb8;
	[tilespmem:$0x1A800] =	vst v63  }
0x2c: {  	_ = 	snop  }
0x2d: {  	[tilespmem:s21], [sflag:$0x1] =	stream.indirect.gather [hbm4b:s4+s19], $0x40, s19, s19, $0xb8;
	[tilespmem:$0x1A800] =	vst v63  }
0x2e: {  	_ = 	snop  }
0x2f: {  	[tilespmem:s23], [sflag:$0x1] =	stream.indirect.gather [hbm4b:s4+s19], $0x40, s11, s19, $0xb8;
	[tilespmem:$0x1A800] =	vst v63  }
0x30: {  	_ = 	snop  }
0x31: {  	[tilespmem:s25], [sflag:$0x1] =	stream.indirect.gather [hbm4b:s4+s19], $0x40, s13, s19, $0xb8;
	[tilespmem:$0x1A800] =	vst v63  }
0x32: {  	s12 =	rddreg [dreg:$0x8]  }
0x33: {  	[tilespmem:s26], [sflag:$0x5] =	stream.linear.gather [hbm4b:s12+s3], $0x200, $0x38;
	[tilespmem:$0x1A800] =	vst v63  }
0x34: {  	_ =	swait.ge [sflag:s17], $0x200  }
0x35: {  	[sflag:s17] =	ssyncset.done $0x0  }
0x36: {  	s22 =	rddreg [dreg:$0x9];
	[sflag:s17] =	ssyncadd.s32 $0xFFFFFE00  }
0x37: {  	[tilespmem:s28], [sflag:$0x5] =	stream.linear.gather [hbm4b:s22+s3], $0x200, $0x38;
	[tilespmem:$0x1A800] =	vst v63  }
0x38: {  	_ =	swait.ge [sflag:s17], $0x200  }
0x39: {  	[sflag:s17] =	ssyncset.done $0x0  }
0x3a: {  	[sflag:s17] =	ssyncadd.s32 $0xFFFFFE00  }
0x3b: {  	[tilespmem:s29], [sflag:$0x2] =	stream.indirect.gather [hbm4b:s4+s19], $0x40, s26, s19, $0xb8;
	[tilespmem:$0x1A800] =	vst v63  }
0x3c: {  	s22 =	simm.s32 $0x280  }
0x3d: {  	[tilespmem:s31], [sflag:$0x2] =	stream.indirect.gather [hbm4b:s4+s19], $0x40, s22, s19, $0xb8;
	[tilespmem:$0x1A800] =	vst v63  }
0x3e: {  	s6 =	simm.s32 $0x300  }
0x3f: {  	[tilespmem:s1], [sflag:$0x2] =	stream.indirect.gather [hbm4b:s4+s19], $0x40, s6, s19, $0xb8;
	[tilespmem:$0x1A800] =	vst v63  }
0x40: {  	s12 =	simm.s32 $0x380  }
0x41: {  	[tilespmem:s9], [sflag:$0x2] =	stream.indirect.gather [hbm4b:s4+s19], $0x40, s12, s19, $0xb8;
	[tilespmem:$0x1A800] =	vst v63  }
0x42: {  	_ =	swait.ge [sflag:s10], $0x8000  }
0x43: {  	[sflag:s10] =	ssyncset.done $0x0  }
0x44: {  	[sflag:s10] =	ssyncadd.s32 $0xFFFF8000  }
0x45: {  	[spmem:s2] =	stream.indirect.scatter.add.f32 [tilespmem:s20], [sflag:$0x3], $0x40, s18, s19, $0xb8;
	[tilespmem:$0x1A800] =	vst v63  }
0x46: {  	s5 =	simm.s32 $0x480  }
0x47: {  	[spmem:s2] =	stream.indirect.scatter.add.f32 [tilespmem:s21], [sflag:$0x3], $0x40, s5, s19, $0xb8;
	[tilespmem:$0x1A800] =	vst v63  }
0x48: {  	s5 =	simm.s32 $0x500  }
0x49: {  	[spmem:s2] =	stream.indirect.scatter.add.f32 [tilespmem:s23], [sflag:$0x3], $0x40, s5, s19, $0xb8;
	[tilespmem:$0x1A800] =	vst v63  }
0x4a: {  	s5 =	simm.s32 $0x580  }
0x4b: {  	[spmem:s2] =	stream.indirect.scatter.add.f32 [tilespmem:s25], [sflag:$0x3], $0x40, s5, s19, $0xb8;
	[tilespmem:$0x1A800] =	vst v63  }
0x4c: {  	_ =	swait.ge [sflag:s14], $0x8000  }
0x4d: {  	[sflag:s14] =	ssyncset.done $0x0  }
0x4e: {  	s5 =	rddreg [dreg:$0xa];
	[sflag:s14] =	ssyncadd.s32 $0xFFFF8000  }
0x4f: {  	[tilespmem:s3], [sflag:$0x5] =	stream.linear.gather [hbm4b:s5+s3], $0x200, $0x38;
	[tilespmem:$0x1A800] =	vst v63  }
0x50: {  	_ =	swait.ge [sflag:s17], $0x200  }
0x51: {  	[sflag:s17] =	ssyncset.done $0x0  }
0x52: {  	s5 =	rddreg [dreg:$0xb];
	[sflag:s17] =	ssyncadd.s32 $0xFFFFFE00  }
0x53: {  	[tilespmem:s18], [sflag:$0x5] =	stream.linear.gather [hbm4b:s5+s3], $0x200, $0x38;
	[tilespmem:$0x1A800] =	vst v63  }
0x54: {  	_ =	swait.ge [sflag:s17], $0x200  }
0x55: {  	[sflag:s17] =	ssyncset.done $0x0  }
0x56: {  	[sflag:s17] =	ssyncadd.s32 $0xFFFFFE00  }
0x57: {  	[tilespmem:s20], [sflag:$0x1] =	stream.indirect.gather [hbm4b:s4+s19], $0x40, s3, s19, $0xb8;
	[tilespmem:$0x1A800] =	vst v63  }
0x58: {  	_ = 	snop  }
0x59: {  	[tilespmem:s21], [sflag:$0x1] =	stream.indirect.gather [hbm4b:s4+s19], $0x40, s19, s19, $0xb8;
	[tilespmem:$0x1A800] =	vst v63  }
0x5a: {  	_ = 	snop  }
0x5b: {  	[tilespmem:s23], [sflag:$0x1] =	stream.indirect.gather [hbm4b:s4+s19], $0x40, s11, s19, $0xb8;
	[tilespmem:$0x1A800] =	vst v63  }
0x5c: {  	_ = 	snop  }
0x5d: {  	[tilespmem:s25], [sflag:$0x1] =	stream.indirect.gather [hbm4b:s4+s19], $0x40, s13, s19, $0xb8;
	[tilespmem:$0x1A800] =	vst v63  }
0x5e: {  	_ =	swait.ge [sflag:s15], $0x8000  }
0x5f: {  	[sflag:s15] =	ssyncset.done $0x0  }
0x60: {  	[sflag:s15] =	ssyncadd.s32 $0xFFFF8000  }
0x61: {  	[spmem:s2] =	stream.indirect.scatter.add.f32 [tilespmem:s29], [sflag:$0x4], $0x40, s28, s19, $0xb8;
	[tilespmem:$0x1A800] =	vst v63  }
0x62: {  	s5 =	simm.s32 $0x680  }
0x63: {  	[spmem:s2] =	stream.indirect.scatter.add.f32 [tilespmem:s31], [sflag:$0x4], $0x40, s5, s19, $0xb8;
	[tilespmem:$0x1A800] =	vst v63  }
0x64: {  	s5 =	simm.s32 $0x700  }
0x65: {  	[spmem:s2] =	stream.indirect.scatter.add.f32 [tilespmem:s1], [sflag:$0x4], $0x40, s5, s19, $0xb8;
	[tilespmem:$0x1A800] =	vst v63  }
0x66: {  	_ = 	snop  }
0x67: {  	[spmem:s2] =	stream.indirect.scatter.add.f32 [tilespmem:s9], [sflag:$0x4], $0x40, s16, s19, $0xb8;
	[tilespmem:$0x1A800] =	vst v63  }
0x68: {  	_ =	swait.ge [sflag:s24], $0x8000  }
0x69: {  	s5 =	sadd.s32 $0x0, s7;
	[sflag:s24] =	ssyncset.done $0x0  }
0x6a: {  	s30 =	sadd.s32 $0xC0, s5;
	[sflag:s24] =	ssyncadd.s32 $0xFFFF8000  }
0x6b: {  	[tilespmem:s26], [sflag:$0x5] =	stream.linear.gather [hbm4b:s30+s3], $0x200, $0x38;
	[tilespmem:$0x1A800] =	vst v63  }
0x6c: {  	_ =	swait.ge [sflag:s17], $0x200  }
0x6d: {  	s30 =	sadd.s32 $0x0, s8;
	[sflag:s17] =	ssyncset.done $0x0  }
0x6e: {  	s0 =	sadd.s32 $0xC0, s30;
	[sflag:s17] =	ssyncadd.s32 $0xFFFFFE00  }
0x6f: {  	[tilespmem:s28], [sflag:$0x5] =	stream.linear.gather [hbm4b:s0+s3], $0x200, $0x38;
	[tilespmem:$0x1A800] =	vst v63  }
0x70: {  	_ =	swait.ge [sflag:s17], $0x200  }
0x71: {  	[sflag:s17] =	ssyncset.done $0x0  }
0x72: {  	[sflag:s17] =	ssyncadd.s32 $0xFFFFFE00  }
0x73: {  	[tilespmem:s29], [sflag:$0x2] =	stream.indirect.gather [hbm4b:s4+s19], $0x40, s26, s19, $0xb8;
	[tilespmem:$0x1A800] =	vst v63  }
0x74: {  	_ = 	snop  }
0x75: {  	[tilespmem:s31], [sflag:$0x2] =	stream.indirect.gather [hbm4b:s4+s19], $0x40, s22, s19, $0xb8;
	[tilespmem:$0x1A800] =	vst v63  }
0x76: {  	_ = 	snop  }
0x77: {  	[tilespmem:s1], [sflag:$0x2] =	stream.indirect.gather [hbm4b:s4+s19], $0x40, s6, s19, $0xb8;
	[tilespmem:$0x1A800] =	vst v63  }
0x78: {  	_ = 	snop  }
0x79: {  	[tilespmem:s9], [sflag:$0x2] =	stream.indirect.gather [hbm4b:s4+s19], $0x40, s12, s19, $0xb8;
	[tilespmem:$0x1A800] =	vst v63  }
0x7a: {  	_ =	swait.ge [sflag:s10], $0x8000  }
0x7b: {  	[sflag:s10] =	ssyncset.done $0x0  }
0x7c: {  	[sflag:s10] =	ssyncadd.s32 $0xFFFF8000  }
0x7d: {  	[spmem:s2] =	stream.indirect.scatter.add.f32 [tilespmem:s20], [sflag:$0x3], $0x40, s18, s19, $0xb8;
	[tilespmem:$0x1A800] =	vst v63  }
0x7e: {  	s12 =	simm.s32 $0x480  }
0x7f: {  	[spmem:s2] =	stream.indirect.scatter.add.f32 [tilespmem:s21], [sflag:$0x3], $0x40, s12, s19, $0xb8;
	[tilespmem:$0x1A800] =	vst v63  }
0x80: {  	s6 =	simm.s32 $0x500  }
0x81: {  	[spmem:s2] =	stream.indirect.scatter.add.f32 [tilespmem:s23], [sflag:$0x3], $0x40, s6, s19, $0xb8;
	[tilespmem:$0x1A800] =	vst v63  }
0x82: {  	s12 =	simm.s32 $0x580  }
0x83: {  	[spmem:s2] =	stream.indirect.scatter.add.f32 [tilespmem:s25], [sflag:$0x3], $0x40, s12, s19, $0xb8;
	[tilespmem:$0x1A800] =	vst v63  }
0x84: {  	_ =	swait.ge [sflag:s14], $0x8000  }
0x85: {  	[sflag:s14] =	ssyncset.done $0x0  }
0x86: {  	s5 =	sadd.s32 $0x100, s5;
	[sflag:s14] =	ssyncadd.s32 $0xFFFF8000  }
0x87: {  	[tilespmem:s3], [sflag:$0x5] =	stream.linear.gather [hbm4b:s5+s3], $0x200, $0x38;
	[tilespmem:$0x1A800] =	vst v63  }
0x88: {  	_ =	swait.ge [sflag:s17], $0x200  }
0x89: {  	[sflag:s17] =	ssyncset.done $0x0  }
0x8a: {  	s6 =	sadd.s32 $0x100, s30;
	[sflag:s17] =	ssyncadd.s32 $0xFFFFFE00  }
0x8b: {  	[tilespmem:s18], [sflag:$0x5] =	stream.linear.gather [hbm4b:s6+s3], $0x200, $0x38;
	[tilespmem:$0x1A800] =	vst v63  }
0x8c: {  	_ =	swait.ge [sflag:s17], $0x200  }
0x8d: {  	[sflag:s17] =	ssyncset.done $0x0  }
0x8e: {  	[sflag:s17] =	ssyncadd.s32 $0xFFFFFE00  }
0x8f: {  	[tilespmem:s20], [sflag:$0x1] =	stream.indirect.gather [hbm4b:s4+s19], $0x40, s3, s19, $0xb8;
	[tilespmem:$0x1A800] =	vst v63  }
0x90: {  	_ = 	snop  }
0x91: {  	[tilespmem:s21], [sflag:$0x1] =	stream.indirect.gather [hbm4b:s4+s19], $0x40, s19, s19, $0xb8;
	[tilespmem:$0x1A800] =	vst v63  }
0x92: {  	_ = 	snop  }
0x93: {  	[tilespmem:s23], [sflag:$0x1] =	stream.indirect.gather [hbm4b:s4+s19], $0x40, s11, s19, $0xb8;
	[tilespmem:$0x1A800] =	vst v63  }
0x94: {  	_ = 	snop  }
0x95: {  	[tilespmem:s25], [sflag:$0x1] =	stream.indirect.gather [hbm4b:s4+s19], $0x40, s13, s19, $0xb8;
	[tilespmem:$0x1A800] =	vst v63  }
0x96: {  	_ =	swait.ge [sflag:s15], $0x8000  }
0x97: {  	[sflag:s15] =	ssyncset.done $0x0;
	s11 =	rddreg [dreg:$0x3]  }
0x98: {  	[sflag:s15] =	ssyncadd.s32 $0xFFFF8000;
	p0 =	sne.s32 s11, $0x80  }
0x99: {  	[spmem:s2] =	stream.indirect.scatter.add.f32 [tilespmem:s29], [sflag:$0x4], $0x40, s28, s19, $0xb8;
	[tilespmem:$0x1A800] =	vst v63  }
.Ltmp0:
0x9a: {  	s12 =	simm.s32 $0x680;
	(pc) =	sbr.rel @!p0 .LBB2_3-.Ltmp0, $4  }
0x9b: {  	[spmem:s2] =	stream.indirect.scatter.add.f32 [tilespmem:s31], [sflag:$0x4], $0x40, s12, s19, $0xb8;
	[tilespmem:$0x1A800] =	vst v63  }
0x9c: {  	s0 =	simm.s32 $0x1;
	s22 =	simm.s32 $0x300;
	s13 =	simm.s32 $0x700  }
0x9d: {  	[spmem:s2] =	stream.indirect.scatter.add.f32 [tilespmem:s1], [sflag:$0x4], $0x40, s13, s19, $0xb8;
	[tilespmem:$0x1A800] =	vst v63  }
0x9e: {  	s30 =	simm.s32 $0x80;
	s6 =	simm.s32 $0x180;
	s13 =	simm.s32 $0x100  }
.LBB2_2:
0x9f: {  	[spmem:s2] =	stream.indirect.scatter.add.f32 [tilespmem:s9], [sflag:$0x4], $0x40, s16, s19, $0xb8;
	[tilespmem:$0x1A800] =	vst v63  }
0xa0: {  	s5 =	smov.u32 s30;
	_ =	swait.ge [sflag:s24], $0x8000  }
0xa1: {  	s11 =	sadd.s32 s5, s7;
	[sflag:s24] =	ssyncset.done $0x0  }
0xa2: {  	s12 =	sadd.s32 $0xC0, s11;
	[sflag:s24] =	ssyncadd.s32 $0xFFFF8000  }
0xa3: {  	[tilespmem:s26], [sflag:$0x5] =	stream.linear.gather [hbm4b:s12+s3], $0x200, $0x38;
	[tilespmem:$0x1A800] =	vst v63  }
0xa4: {  	_ =	swait.ge [sflag:s17], $0x200  }
0xa5: {  	s5 =	sadd.s32 s5, s8;
	[sflag:s17] =	ssyncset.done $0x0  }
0xa6: {  	s12 =	sadd.s32 $0xC0, s5;
	[sflag:s17] =	ssyncadd.s32 $0xFFFFFE00  }
0xa7: {  	[tilespmem:s28], [sflag:$0x5] =	stream.linear.gather [hbm4b:s12+s3], $0x200, $0x38;
	[tilespmem:$0x1A800] =	vst v63  }
0xa8: {  	_ =	swait.ge [sflag:s17], $0x200  }
0xa9: {  	[sflag:s17] =	ssyncset.done $0x0  }
0xaa: {  	[sflag:s17] =	ssyncadd.s32 $0xFFFFFE00  }
0xab: {  	[tilespmem:s29], [sflag:$0x2] =	stream.indirect.gather [hbm4b:s4+s19], $0x40, s26, s19, $0xb8;
	[tilespmem:$0x1A800] =	vst v63  }
0xac: {  	s12 =	simm.s32 $0x280  }
0xad: {  	[tilespmem:s31], [sflag:$0x2] =	stream.indirect.gather [hbm4b:s4+s19], $0x40, s12, s19, $0xb8;
	[tilespmem:$0x1A800] =	vst v63  }
0xae: {  	_ = 	snop  }
0xaf: {  	[tilespmem:s1], [sflag:$0x2] =	stream.indirect.gather [hbm4b:s4+s19], $0x40, s22, s19, $0xb8;
	[tilespmem:$0x1A800] =	vst v63  }
0xb0: {  	s12 =	simm.s32 $0x380  }
0xb1: {  	[tilespmem:s9], [sflag:$0x2] =	stream.indirect.gather [hbm4b:s4+s19], $0x40, s12, s19, $0xb8;
	[tilespmem:$0x1A800] =	vst v63  }
0xb2: {  	_ =	swait.ge [sflag:s10], $0x8000  }
0xb3: {  	[sflag:s10] =	ssyncset.done $0x0  }
0xb4: {  	[sflag:s10] =	ssyncadd.s32 $0xFFFF8000  }
0xb5: {  	[spmem:s2] =	stream.indirect.scatter.add.f32 [tilespmem:s20], [sflag:$0x3], $0x40, s18, s19, $0xb8;
	[tilespmem:$0x1A800] =	vst v63  }
0xb6: {  	s12 =	simm.s32 $0x480  }
0xb7: {  	[spmem:s2] =	stream.indirect.scatter.add.f32 [tilespmem:s21], [sflag:$0x3], $0x40, s12, s19, $0xb8;
	[tilespmem:$0x1A800] =	vst v63  }
0xb8: {  	s12 =	simm.s32 $0x500  }
0xb9: {  	[spmem:s2] =	stream.indirect.scatter.add.f32 [tilespmem:s23], [sflag:$0x3], $0x40, s12, s19, $0xb8;
	[tilespmem:$0x1A800] =	vst v63  }
0xba: {  	s12 =	simm.s32 $0x580  }
0xbb: {  	[spmem:s2] =	stream.indirect.scatter.add.f32 [tilespmem:s25], [sflag:$0x3], $0x40, s12, s19, $0xb8;
	[tilespmem:$0x1A800] =	vst v63  }
0xbc: {  	_ =	swait.ge [sflag:s14], $0x8000  }
0xbd: {  	[sflag:s14] =	ssyncset.done $0x0  }
0xbe: {  	s11 =	sadd.s32 $0x100, s11;
	[sflag:s14] =	ssyncadd.s32 $0xFFFF8000  }
0xbf: {  	[tilespmem:s3], [sflag:$0x5] =	stream.linear.gather [hbm4b:s11+s3], $0x200, $0x38;
	[tilespmem:$0x1A800] =	vst v63  }
0xc0: {  	_ =	swait.ge [sflag:s17], $0x200  }
0xc1: {  	[sflag:s17] =	ssyncset.done $0x0  }
0xc2: {  	s5 =	sadd.s32 $0x100, s5;
	[sflag:s17] =	ssyncadd.s32 $0xFFFFFE00  }
0xc3: {  	[tilespmem:s18], [sflag:$0x5] =	stream.linear.gather [hbm4b:s5+s3], $0x200, $0x38;
	[tilespmem:$0x1A800] =	vst v63  }
0xc4: {  	_ =	swait.ge [sflag:s17], $0x200  }
0xc5: {  	[sflag:s17] =	ssyncset.done $0x0  }
0xc6: {  	[sflag:s17] =	ssyncadd.s32 $0xFFFFFE00  }
0xc7: {  	[tilespmem:s20], [sflag:$0x1] =	stream.indirect.gather [hbm4b:s4+s19], $0x40, s3, s19, $0xb8;
	[tilespmem:$0x1A800] =	vst v63  }
0xc8: {  	_ = 	snop  }
0xc9: {  	[tilespmem:s21], [sflag:$0x1] =	stream.indirect.gather [hbm4b:s4+s19], $0x40, s19, s19, $0xb8;
	[tilespmem:$0x1A800] =	vst v63  }
0xca: {  	_ = 	snop  }
0xcb: {  	[tilespmem:s23], [sflag:$0x1] =	stream.indirect.gather [hbm4b:s4+s19], $0x40, s13, s19, $0xb8;
	[tilespmem:$0x1A800] =	vst v63  }
0xcc: {  	_ = 	snop  }
0xcd: {  	[tilespmem:s25], [sflag:$0x1] =	stream.indirect.gather [hbm4b:s4+s19], $0x40, s6, s19, $0xb8;
	[tilespmem:$0x1A800] =	vst v63  }
0xce: {  	_ =	swait.ge [sflag:s15], $0x8000  }
0xcf: {  	s30 =	sadd.s32 $0x80, s30;
	[sflag:s15] =	ssyncset.done $0x0;
	s12 =	rddreg [dreg:$0x3]  }
0xd0: {  	[sflag:s15] =	ssyncadd.s32 $0xFFFF8000;
	p0 =	sne.s32 s12, s30  }
0xd1: {  	[spmem:s2] =	stream.indirect.scatter.add.f32 [tilespmem:s29], [sflag:$0x4], $0x40, s28, s19, $0xb8;
	[tilespmem:$0x1A800] =	vst v63  }
.Ltmp1:
0xd2: {  	_ = 	snop;
	(pc) =	sbr.rel @p0 .LBB2_2-.Ltmp1, $4  }
0xd3: {  	s11 =	simm.s32 $0x680  }
0xd4: {  	[spmem:s2] =	stream.indirect.scatter.add.f32 [tilespmem:s31], [sflag:$0x4], $0x40, s11, s19, $0xb8;
	[tilespmem:$0x1A800] =	vst v63  }
0xd5: {  	s0 =	sadd.s32 $0x1, s0;
	s12 =	simm.s32 $0x700  }
0xd6: {  	[spmem:s2] =	stream.indirect.scatter.add.f32 [tilespmem:s1], [sflag:$0x4], $0x40, s12, s19, $0xb8;
	[tilespmem:$0x1A800] =	vst v63  }
.LBB2_3:
0xd7: {  	s6 =	simm.s32 $0x780  }
0xd8: {  	[spmem:s2] =	stream.indirect.scatter.add.f32 [tilespmem:s9], [sflag:$0x4], $0x40, s6, s19, $0xb8;
	[tilespmem:$0x1A800] =	vst v63  }
0xd9: {  	_ =	swait.ge [sflag:s24], $0x8000  }
0xda: {  	s5 =	sadd.s32 s30, s7;
	[sflag:s24] =	ssyncset.done $0x0  }
0xdb: {  	s5 =	sadd.s32 $0xC0, s5;
	[sflag:s24] =	ssyncadd.s32 $0xFFFF8000  }
0xdc: {  	[tilespmem:s26], [sflag:$0x5] =	stream.linear.gather [hbm4b:s5+s3], $0x200, $0x38;
	[tilespmem:$0x1A800] =	vst v63  }
0xdd: {  	_ =	swait.ge [sflag:s17], $0x200  }
0xde: {  	s13 =	sadd.s32 s30, s8;
	[sflag:s17] =	ssyncset.done $0x0  }
0xdf: {  	s5 =	sadd.s32 $0xC0, s13;
	[sflag:s17] =	ssyncadd.s32 $0xFFFFFE00  }
0xe0: {  	[tilespmem:s28], [sflag:$0x5] =	stream.linear.gather [hbm4b:s5+s3], $0x200, $0x38;
	[tilespmem:$0x1A800] =	vst v63  }
0xe1: {  	_ =	swait.ge [sflag:s17], $0x200  }
0xe2: {  	[sflag:s17] =	ssyncset.done $0x0  }
0xe3: {  	[sflag:s17] =	ssyncadd.s32 $0xFFFFFE00  }
0xe4: {  	[tilespmem:s29], [sflag:$0x2] =	stream.indirect.gather [hbm4b:s4+s19], $0x40, s26, s19, $0xb8;
	[tilespmem:$0x1A800] =	vst v63  }
0xe5: {  	s16 =	simm.s32 $0x280  }
0xe6: {  	[tilespmem:s31], [sflag:$0x2] =	stream.indirect.gather [hbm4b:s4+s19], $0x40, s16, s19, $0xb8;
	[tilespmem:$0x1A800] =	vst v63  }
0xe7: {  	_ = 	snop  }
0xe8: {  	[tilespmem:s1], [sflag:$0x2] =	stream.indirect.gather [hbm4b:s4+s19], $0x40, s22, s19, $0xb8;
	[tilespmem:$0x1A800] =	vst v63  }
0xe9: {  	s11 =	simm.s32 $0x380  }
0xea: {  	[tilespmem:s9], [sflag:$0x2] =	stream.indirect.gather [hbm4b:s4+s19], $0x40, s11, s19, $0xb8;
	[tilespmem:$0x1A800] =	vst v63  }
0xeb: {  	_ =	swait.ge [sflag:s10], $0x8000  }
0xec: {  	[sflag:s10] =	ssyncset.done $0x0  }
0xed: {  	[sflag:s10] =	ssyncadd.s32 $0xFFFF8000  }
0xee: {  	[spmem:s2] =	stream.indirect.scatter.add.f32 [tilespmem:s20], [sflag:$0x3], $0x40, s18, s19, $0xb8;
	[tilespmem:$0x1A800] =	vst v63  }
0xef: {  	s12 =	simm.s32 $0x480;
	s22 =	rddreg [dreg:$0xc]  }
0xf0: {  	[spmem:s2] =	stream.indirect.scatter.add.f32 [tilespmem:s21], [sflag:$0x3], $0x40, s12, s19, $0xb8;
	[tilespmem:$0x1A800] =	vst v63  }
0xf1: {  	s13 =	simm.s32 $0x500;
	p0 =	sge.u32 s0, s22  }
0xf2: {  	[spmem:s2] =	stream.indirect.scatter.add.f32 [tilespmem:s23], [sflag:$0x3], $0x40, s13, s19, $0xb8;
	[tilespmem:$0x1A800] =	vst v63  }
0xf3: {  	s16 =	simm.s32 $0x580;
	s0 =	simm.s32 @!p0 $0x3  }
0xf4: {  	[spmem:s2] =	stream.indirect.scatter.add.f32 [tilespmem:s25], [sflag:$0x3], $0x40, s16, s19, $0xb8;
	[tilespmem:$0x1A800] =	vst v63  }
0xf5: {  	_ =	swait.ge @!p0 [sflag:s0], $0x8000  }
0xf6: {  	s5 =	sadd.s32 @!p0 s30, s7;
	[sflag:s0] =	ssyncset.done @!p0 $0x0  }
0xf7: {  	[sflag:s0] =	ssyncadd.s32 @!p0 $0xFFFF8000;
	s0 =	sadd.s32 @!p0 $0x100, s5;
	s5 =	simm.s32 @!p0 $0x0  }
0xf8: {  	[tilespmem:s5], [sflag:$0x5] =	stream.linear.gather @!p0 [hbm4b:s0+s5], $0x200, $0x38;
	[tilespmem:$0x1A800] =	vst v63  }
0xf9: {  	s0 =	simm.s32 @!p0 $0x5  }
0xfa: {  	_ =	swait.ge @!p0 [sflag:s0], $0x200  }
0xfb: {  	s11 =	sadd.s32 @!p0 s30, s8;
	[sflag:s0] =	ssyncset.done @!p0 $0x0  }
0xfc: {  	s11 =	sadd.s32 @!p0 $0x100, s11;
	s12 =	simm.s32 @!p0 $0x400;
	[sflag:s0] =	ssyncadd.s32 @!p0 $0xFFFFFE00  }
0xfd: {  	[tilespmem:s12], [sflag:$0x5] =	stream.linear.gather @!p0 [hbm4b:s11+s5], $0x200, $0x38;
	[tilespmem:$0x1A800] =	vst v63  }
0xfe: {  	_ =	swait.ge @!p0 [sflag:s0], $0x200  }
0xff: {  	[sflag:s0] =	ssyncset.done @!p0 $0x0  }
0x100: {  	s11 =	simm.s32 @!p0 $0x800;
	[sflag:s0] =	ssyncadd.s32 @!p0 $0xFFFFFE00;
	s0 =	simm.s32 @!p0 $0x80  }
0x101: {  	[tilespmem:s11], [sflag:$0x1] =	stream.indirect.gather @!p0 [hbm4b:s4+s0], $0x40, s5, s0, $0xb8;
	[tilespmem:$0x1A800] =	vst v63  }
0x102: {  	s5 =	simm.s32 @!p0 $0x2800  }
0x103: {  	[tilespmem:s5], [sflag:$0x1] =	stream.indirect.gather @!p0 [hbm4b:s4+s0], $0x40, s0, s0, $0xb8;
	[tilespmem:$0x1A800] =	vst v63  }
0x104: {  	s11 =	simm.s32 @!p0 $0x4800;
	s5 =	simm.s32 @!p0 $0x100  }
0x105: {  	[tilespmem:s11], [sflag:$0x1] =	stream.indirect.gather @!p0 [hbm4b:s4+s0], $0x40, s5, s0, $0xb8;
	[tilespmem:$0x1A800] =	vst v63  }
0x106: {  	s5 =	simm.s32 @!p0 $0x180;
	s11 =	simm.s32 @!p0 $0x6800  }
0x107: {  	[tilespmem:s11], [sflag:$0x1] =	stream.indirect.gather @!p0 [hbm4b:s4+s0], $0x40, s5, s0, $0xb8;
	[tilespmem:$0x1A800] =	vst v63  }
0x108: {  	_ =	swait.ge [sflag:s15], $0x8000  }
0x109: {  	[sflag:s15] =	ssyncset.done $0x0  }
0x10a: {  	[sflag:s15] =	ssyncadd.s32 $0xFFFF8000  }
0x10b: {  	[spmem:s2] =	stream.indirect.scatter.add.f32 [tilespmem:s29], [sflag:$0x4], $0x40, s28, s19, $0xb8;
	[tilespmem:$0x1A800] =	vst v63  }
0x10c: {  	s11 =	simm.s32 $0x680  }
0x10d: {  	[spmem:s2] =	stream.indirect.scatter.add.f32 [tilespmem:s31], [sflag:$0x4], $0x40, s11, s19, $0xb8;
	[tilespmem:$0x1A800] =	vst v63  }
0x10e: {  	s12 =	simm.s32 $0x700  }
0x10f: {  	[spmem:s2] =	stream.indirect.scatter.add.f32 [tilespmem:s1], [sflag:$0x4], $0x40, s12, s19, $0xb8;
	[tilespmem:$0x1A800] =	vst v63  }
0x110: {  	_ = 	snop  }
0x111: {  	[spmem:s2] =	stream.indirect.scatter.add.f32 [tilespmem:s9], [sflag:$0x4], $0x40, s6, s19, $0xb8;
	[tilespmem:$0x1A800] =	vst v63  }
0x112: {  	_ =	swait.ge [sflag:s14], $0x8000  }
0x113: {  	[sflag:s14] =	ssyncset.done $0x0  }
0x114: {  	[sflag:s14] =	ssyncadd.s32 $0xFFFF8000  }
0x115: {  	_ =	swait.ge [sflag:s24], $0x8000  }
0x116: {  	[sflag:s24] =	ssyncset.done $0x0  }
0x117: {  	[sflag:s24] =	ssyncadd.s32 $0xFFFF8000  }
0x118: {  	[bflag:$0x0] =	sbarrier.arrive $0xFFFF  }
0x119: {  	s12 =	rddreg [dreg:$0x5]  }
0x11a: {  	s13 =	rddreg [dreg:$0x6]  }
0x11b: {  	s5 =	rddreg [dreg:$0xd]  }
0x11c: {  	[hbm:s13], [sflag:s12] =	dma.local [spmem:s5], $0x1400  }
0x11d: {  	_ =	swait.ge [sflag:s17], $0x1400  }
0x11e: {  	s22 =	rddreg [dreg:$0xe]  }
0x11f: {  	s30 =	rddreg [dreg:$0x7];
	s6 =	sadd.s32 $0x1, s22  }
0x120: {  	p0 =	sne.s32 s6, s30  }
.Ltmp2:
0x121: {  	_ = 	snop;
	(pc) =	sbr.rel @p0 .LBB2_1-.Ltmp2, $3  }
0x122: {  	_ =	sdelay $0x1  }
0x123: {  	s16 =	simm.s32 $0x780;
	[sflag:s17] =	ssyncset.done $0x0  }
0x124: {  	s11 =	simm.s32 $0x100;
	s13 =	simm.s32 $0x180;
	[sflag:s17] =	ssyncadd.s32 $0xFFFFEC00  }
0x125: {  	_ =	sfence.sel $0x180000  }
0x126: {  	[bflag:$0x0] =	sbarrier.arrive $0xFFFF  }
0x127: {  	_ =	strace $0x9000004A  }
0x128: {  	s0 =	stileid.u32;
	[bflag:$0x2] =	sbarrier.arrive $0xFFFF  }
0x129: {  	p0 =	sne.s32 s0, $0x0;
	s0 =	rddreg [dreg:$0x2]  }
0x12a: {  	s0 =	sadd.s32 @!p0 $0x100000, s0  }
0x12b: {  	[sflag:s0] =	ssyncadd.tile.s32 @!p0 $0x1;
	_ =	shalt  }
.Lfunc_end2:
_tile_overlayer_lowered:
.L_overlay_start_2:
0x12c: {  	(tag) =	ssettag $0x2  }
0x12d: {  	s0 =	rddreg [dreg:$0x0];
	s2 =	stileid.u32  }
0x12e: {  	s1 =	rddreg [dreg:$0x1];
	p0 =	sne.s32 s2, $0x0  }
0x12f: {  	s3 =	rddreg [dreg:$0x2];
	[bflag:$0x3] =	sbarrier.arrive $0xFFFF;
	s2 =	simm.s32 @!p0 $0x1C05  }
0x130: {  	[timem:s3], [sflag:s2] =	dma.local @!p0 [hbm:s0], s1  }
0x131: {  	s0 =	simm.s32 @!p0 $0x5  }
0x132: {  	_ =	swait.ge @!p0 [sflag:s0], s1  }
0x133: {  	s1 =	ssub.s32 @!p0 $0x0, s1;
	[sflag:s0] =	ssyncset.done @!p0 $0x0  }
0x134: {  	[sflag:s0] =	ssyncadd.s32 @!p0 s1  }
0x135: {  	[bflag:$0x3] =	sbarrier.arrive $0xFFFF  }
0x136: {  	_ =	shalt  }

</sc_bundles>
